<compile_context>
chip_gen: v7x
topology: tpu7x:2x2x1
jax: 0.10.2.dev20260603
libtpu: 0.0.44.dev20260713+nightly
codegen_flags: <defaults>
</compile_context>

<pallas_src>
import functools

import jax
import jax.numpy as jnp
from jax import lax
from jax.experimental import pallas as pl
from jax.experimental.pallas import tpu as pltpu
from jax.experimental.pallas import tpu_sc as plsc

N = 10000
D = 128
E = 320000

NC = 2
NS = 16
C = 128
T = 160
NBUF = 4
E_PAD = NS * T * C
N_PAD = 10240
RPT = N_PAD // NS
DR = N_PAD // 128
DH = D // NC

_f32 = jnp.float32


def _sc_agg_body(compute_deg, x2_hbm, src_hbm, dst_hbm, z_hbm, zdeg_hbm,
                 agg_out, deg_out, src_v, dst_v, r0, r1, r2, r3, deg_v,
                 zer_v, acc_sh, gsem, ssem):
    c = lax.axis_index("c")
    s = lax.axis_index("s")
    bufs = [r0, r1, r2, r3]

    pltpu.sync_copy(src_hbm.at[c, s], src_v)
    pltpu.sync_copy(dst_hbm.at[c, s], dst_v)
    pltpu.sync_copy(z_hbm, zer_v)
    if compute_deg:
        pltpu.sync_copy(zdeg_hbm, deg_v)

    def zero_blk(k, carry):
        pltpu.sync_copy(zer_v, acc_sh.at[pl.ds(s * RPT + k * 8, 8)])
        return carry

    lax.fori_loop(0, RPT // 8, zero_blk, 0)
    plsc.subcore_barrier()

    ones16 = jnp.ones((16,), _f32)

    for b in range(NBUF):
        pltpu.async_copy(x2_hbm.at[src_v.at[b]], bufs[b], gsem)

    def quad(q, carry):
        for b in range(NBUF):
            j = q * NBUF + b
            pltpu.make_async_copy(
                x2_hbm.at[src_v.at[j]], bufs[b], gsem).wait()
            sdesc = pltpu.async_copy(
                bufs[b], acc_sh.at[dst_v.at[j]], ssem, add=True)
            if compute_deg:
                @pl.when(c == 0)
                def _():
                    for k in range(C // 16):
                        idx16 = dst_v[j, pl.ds(k * 16, 16)]
                        plsc.addupdate_scatter(
                            deg_v,
                            [jnp.right_shift(idx16, 7),
                             jnp.bitwise_and(idx16, 127)],
                            ones16)
            sdesc.wait()
            nxt = j + NBUF

            @pl.when(nxt < T)
            def _():
                pltpu.async_copy(x2_hbm.at[src_v.at[nxt]], bufs[b], gsem)
        return carry

    lax.fori_loop(0, T // NBUF, quad, 0)
    plsc.subcore_barrier()

    if compute_deg:
        @pl.when(c == 0)
        def _():
            pltpu.sync_copy(deg_v, deg_out.at[s])

    pltpu.sync_copy(acc_sh.at[pl.ds(s * RPT, RPT)],
                    agg_out.at[c, pl.ds(s * RPT, RPT)])


def _make_sc_agg(compute_deg):
    mesh = plsc.VectorSubcoreMesh(core_axis_name="c", subcore_axis_name="s",
                                  num_cores=NC, num_subcores=NS)
    out_type = [jax.ShapeDtypeStruct((NC, N_PAD, DH), _f32)]
    if compute_deg:
        out_type.append(jax.ShapeDtypeStruct((NS, DR, 128), _f32))
    scratch = [
        pltpu.VMEM((T, C), jnp.int32),
        pltpu.VMEM((T, C), jnp.int32),
        pltpu.VMEM((C, DH), _f32),
        pltpu.VMEM((C, DH), _f32),
        pltpu.VMEM((C, DH), _f32),
        pltpu.VMEM((C, DH), _f32),
        pltpu.VMEM((DR, 128), _f32),
        pltpu.VMEM((8, DH), _f32),
        pltpu.VMEM_SHARED((N_PAD, DH), _f32),
        pltpu.SemaphoreType.DMA,
        pltpu.SemaphoreType.DMA,
    ]
    body = functools.partial(_sc_agg_body, compute_deg)
    if not compute_deg:
        def body(x2_hbm, src_hbm, dst_hbm, z_hbm, agg_out, src_v, dst_v,
                 r0, r1, r2, r3, zer_v, acc_sh, gsem, ssem):
            _sc_agg_body(False, x2_hbm, src_hbm, dst_hbm, z_hbm, None,
                         agg_out, None, src_v, dst_v, r0, r1, r2, r3, None,
                         zer_v, acc_sh, gsem, ssem)
        scratch = scratch[:6] + scratch[7:]
    return pl.kernel(
        body,
        out_type=out_type,
        mesh=mesh,
        scratch_types=scratch,
        compiler_params=pltpu.CompilerParams(
            needs_layout_passes=False, use_tc_tiling_on_sc=False),
        name="sc_segsum" + ("_deg" if compute_deg else ""),
    )


BN = 1024


def _tc0_body(x_ref, p0_ref, p1_ref, dp_ref, wl_ref, wr_ref, b_ref,
              h_ref):
    deg = jnp.maximum(jnp.sum(dp_ref[...], axis=0), 1.0)
    agg = jnp.concatenate([p0_ref[...], p1_ref[...]], axis=1)
    mean = agg / deg[:, None]
    h = (jnp.dot(x_ref[...], wl_ref[...], preferred_element_type=_f32)
         + jnp.dot(mean, wr_ref[...], preferred_element_type=_f32)
         + b_ref[...])
    h_ref[...] = jnp.maximum(h, 0.0)


def _tc1_body(h_ref, p0_ref, p1_ref, dp_ref, wl_ref, wr_ref, b_ref,
              wo_ref, bo_ref, o_ref):
    deg = jnp.maximum(jnp.sum(dp_ref[...], axis=0), 1.0)
    agg = jnp.concatenate([p0_ref[...], p1_ref[...]], axis=1)
    mean = agg / deg[:, None]
    t = (jnp.dot(h_ref[...], wl_ref[...], preferred_element_type=_f32)
         + jnp.dot(mean, wr_ref[...], preferred_element_type=_f32)
         + b_ref[...])
    t = jnp.maximum(t, 0.0)
    o_ref[...] = (jnp.dot(t, wo_ref[...], preferred_element_type=_f32)
                  + bo_ref[...])


def _row_spec():
    return pl.BlockSpec((BN, D), lambda i: (i, 0))


def _half_spec():
    return pl.BlockSpec((BN, DH), lambda i: (i, 0))


def _deg_spec():
    return pl.BlockSpec((NS, BN), lambda i: (0, i))


def _w_spec():
    return pl.BlockSpec((D, D), lambda i: (0, 0))


def _b_spec():
    return pl.BlockSpec((1, D), lambda i: (0, 0))


def _tc_layer0(x, p0, p1, dp, Wl, Wr, b):
    return pl.pallas_call(
        _tc0_body,
        grid=(N_PAD // BN,),
        in_specs=[_row_spec(), _half_spec(), _half_spec(), _deg_spec(),
                  _w_spec(), _w_spec(), _b_spec()],
        out_specs=_row_spec(),
        out_shape=jax.ShapeDtypeStruct((N_PAD, D), _f32),
    )(x, p0, p1, dp, Wl, Wr, b)


def _tc_layer1(h, p0, p1, dp, Wl, Wr, b, Wo, bo):
    return pl.pallas_call(
        _tc1_body,
        grid=(N_PAD // BN,),
        in_specs=[_row_spec(), _half_spec(), _half_spec(), _deg_spec(),
                  _w_spec(), _w_spec(), _b_spec(), _w_spec(), _b_spec()],
        out_specs=_row_spec(),
        out_shape=jax.ShapeDtypeStruct((N_PAD, D), _f32),
    )(h, p0, p1, dp, Wl, Wr, b, Wo, bo)


def kernel(x, edge_index, W0l, W0r, b0, W1l, W1r, b1, Wlin, blin):
    x_pad = jnp.pad(x, ((0, N_PAD - N), (0, 0)))
    src = edge_index[0]
    dst = edge_index[1]
    npad = E_PAD - E
    pad_ar = jnp.arange(npad, dtype=jnp.int32)
    src_t = jnp.concatenate([src, pad_ar % N]).reshape(NS, T, C)
    dst_t = jnp.concatenate([dst, N + pad_ar % (N_PAD - N)]).reshape(
        NS, T, C)
    core_ofs = jnp.arange(NC, dtype=jnp.int32).reshape(NC, 1, 1, 1)
    src_p = 2 * src_t[None] + core_ofs
    dst_p = jnp.broadcast_to(dst_t[None], (NC, NS, T, C))
    z = jnp.zeros((8, DH), _f32)
    zdeg = jnp.zeros((DR, 128), _f32)
    b0r = b0.reshape(1, D)
    b1r = b1.reshape(1, D)
    blinr = blin.reshape(1, D)

    x2 = x_pad.reshape(2 * N_PAD, DH)
    agg0, deg = _make_sc_agg(True)(x2, src_p, dst_p, z, zdeg)
    degp = deg.reshape(NS, N_PAD)
    h = _tc_layer0(x_pad, agg0[0], agg0[1], degp, W0l, W0r, b0r)

    h2 = h.reshape(2 * N_PAD, DH)
    agg1 = _make_sc_agg(False)(h2, src_p, dst_p, z)[0]
    out = _tc_layer1(h, agg1[0], agg1[1], degp, W1l, W1r, b1r, Wlin, blinr)

    return out[:N]

# --- scband reference (transcript-rebuilt; emitter-appended) ---
"""Pipeline reference for scband-gnnbasic-45062796870371 (READ-ONLY COPY).

The authoritative reference and input builder live on the scoring server;
editing this copy changes nothing except your own understanding.
"""

import jax, jax.numpy as jnp
import numpy as np

N = 10000
E = 320000
D_IN = 128
D_HID = 128
D_OUT = 128


def setup_inputs(seed: int = 0) -> dict:
    key = jax.random.key(seed)
    ks = jax.random.split(key, 12)
    x = jax.random.normal(ks[0], (N, D_IN), dtype=jnp.float32)
    edge_index = jax.random.randint(ks[1], (2, E), 0, N, dtype=jnp.int32)
    s_in = 1.0 / np.sqrt(D_IN)
    s_hid = 1.0 / np.sqrt(D_HID)
    W0l = jax.random.uniform(ks[2], (D_IN, D_HID), jnp.float32, -s_in, s_in)
    W0r = jax.random.uniform(ks[3], (D_IN, D_HID), jnp.float32, -s_in, s_in)
    b0 = jax.random.uniform(ks[4], (D_HID,), jnp.float32, -s_in, s_in)
    W1l = jax.random.uniform(ks[5], (D_HID, D_HID), jnp.float32, -s_hid, s_hid)
    W1r = jax.random.uniform(ks[6], (D_HID, D_HID), jnp.float32, -s_hid, s_hid)
    b1 = jax.random.uniform(ks[7], (D_HID,), jnp.float32, -s_hid, s_hid)
    Wlin = jax.random.uniform(ks[8], (D_HID, D_OUT), jnp.float32, -s_hid, s_hid)
    blin = jax.random.uniform(ks[9], (D_OUT,), jnp.float32, -s_hid, s_hid)
    return {"x": x, "edge_index": edge_index, "W0l": W0l, "W0r": W0r, "b0": b0,
            "W1l": W1l, "W1r": W1r, "b1": b1, "Wlin": Wlin, "blin": blin}


def _sage_conv(x, src, dst, Wl, Wr, b):
    # mean aggregation of neighbor messages (GraphSAGE-mean style conv)
    msgs = jnp.take(x, src, axis=0)                      # gather  [E, d]
    agg = jax.ops.segment_sum(msgs, dst, num_segments=N)  # scatter-add [N, d]
    deg = jax.ops.segment_sum(jnp.ones((src.shape[0],), x.dtype), dst, num_segments=N)
    mean = agg / jnp.clip(deg, 1.0)[:, None]
    return x @ Wl + mean @ Wr + b


def reference(x, edge_index, W0l, W0r, b0, W1l, W1r, b1, Wlin, blin):
    src = edge_index[0]
    dst = edge_index[1]
    h = _sage_conv(x, src, dst, W0l, W0r, b0)
    h = jax.nn.relu(h)  # dropout p=0.0 -> identity
    h = _sage_conv(h, src, dst, W1l, W1r, b1)
    h = jax.nn.relu(h)
    # readout='identity' -> no pooling over batch
    out = h @ Wlin + blin
    return out

if __name__ == "__main__":
    import jax
    _d = setup_inputs()
    print(jax.jit(kernel)(*tuple(_d.values())))

</pallas_src>

<mosaic_0001>
#map = affine_map<(d0, d1) -> (0, 0)>
#map1 = affine_map<(d0, d1) -> (0, 0, 0, 0)>
#map2 = affine_map<(d0, d1) -> (0, 0, 0)>
module attributes {stable_mosaic.version = 14 : i64} {
  func.func @sc_segsum_deg(%arg0: i32, %arg1: i32, %arg2: memref<20480x64xf32, #tpu.memory_space<hbm>>, %arg3: memref<2x16x160x128xi32, #tpu.memory_space<hbm>>, %arg4: memref<2x16x160x128xi32, #tpu.memory_space<hbm>>, %arg5: memref<8x64xf32, #tpu.memory_space<hbm>>, %arg6: memref<80x128xf32, #tpu.memory_space<hbm>>, %arg7: memref<2x10240x64xf32, #tpu.memory_space<hbm>>, %arg8: memref<16x80x128xf32, #tpu.memory_space<hbm>>, %arg9: memref<160x128xi32, #tpu.memory_space<vmem>>, %arg10: memref<160x128xi32, #tpu.memory_space<vmem>>, %arg11: memref<128x64xf32, #tpu.memory_space<vmem>>, %arg12: memref<128x64xf32, #tpu.memory_space<vmem>>, %arg13: memref<128x64xf32, #tpu.memory_space<vmem>>, %arg14: memref<128x64xf32, #tpu.memory_space<vmem>>, %arg15: memref<80x128xf32, #tpu.memory_space<vmem>>, %arg16: memref<8x64xf32, #tpu.memory_space<vmem>>, %arg17: memref<10240x64xf32, #tpu.memory_space<vmem_shared>>, %arg18: memref<!tpu.dma_semaphore, #tpu.memory_space<semaphore_mem>>, %arg19: memref<!tpu.dma_semaphore, #tpu.memory_space<semaphore_mem>>) attributes {dimension_semantics = [#tpu.dimension_semantics<core_parallel>, #tpu.dimension_semantics<subcore_parallel>], iteration_bounds = array<i64: 2, 16>, scalar_prefetch = 0 : i64, scratch_operands = 11 : i64, tpu.core_type = #tpu.core_type<sc_vector_subcore>, window_params = [{transform_indices = #map}, {transform_indices = #map1}, {transform_indices = #map1}, {transform_indices = #map}, {transform_indices = #map}, {transform_indices = #map2}, {transform_indices = #map2}]} {
    "tpu.region"() ({
      %run_scoped3A = tpu.sem_alloc : memref<!tpu.dma_semaphore, #tpu.memory_space<semaphore_mem>>
      %dma_start3A_45 = arith.constant 0 : i32
      %dma_start3A_46 = arith.constant 0 : i32
      %dma_start3A_47 = tpu.memref_slice %arg3[%arg0, %arg1, %dma_start3A_45, %dma_start3A_46] : memref<2x16x160x128xi32, #tpu.memory_space<hbm>> -> memref<1x1x160x128xi32, #tpu.memory_space<hbm>>
      %dma_start3A_48 = tpu.memref_squeeze %dma_start3A_47 : memref<1x1x160x128xi32, #tpu.memory_space<hbm>> -> memref<160x128xi32, #tpu.memory_space<hbm>>
      %dma_start3A_49 = arith.constant 0 : i32
      %dma_start3A_50 = arith.constant 0 : i32
      %dma_start3A_51 = tpu.memref_slice %arg3[%arg0, %arg1, %dma_start3A_49, %dma_start3A_50] : memref<2x16x160x128xi32, #tpu.memory_space<hbm>> -> memref<1x1x160x128xi32, #tpu.memory_space<hbm>>
      %dma_start3A_52 = tpu.memref_squeeze %dma_start3A_51 : memref<1x1x160x128xi32, #tpu.memory_space<hbm>> -> memref<160x128xi32, #tpu.memory_space<hbm>>
      tpu.enqueue_dma source(%dma_start3A_52 : memref<160x128xi32, #tpu.memory_space<hbm>>) target(%arg9 : memref<160x128xi32, #tpu.memory_space<vmem>>) target_semaphore(%run_scoped3A : memref<!tpu.dma_semaphore, #tpu.memory_space<semaphore_mem>>)
      %dma_wait3A = arith.constant 0 : i32
      %dma_wait3A_53 = arith.constant 0 : i32
      %dma_wait3A_54 = tpu.memref_slice %arg3[%arg0, %arg1, %dma_wait3A, %dma_wait3A_53] : memref<2x16x160x128xi32, #tpu.memory_space<hbm>> -> memref<1x1x160x128xi32, #tpu.memory_space<hbm>>
      %dma_wait3A_55 = tpu.memref_squeeze %dma_wait3A_54 : memref<1x1x160x128xi32, #tpu.memory_space<hbm>> -> memref<160x128xi32, #tpu.memory_space<hbm>>
      %dma_wait3A_56 = arith.constant 0 : i32
      %dma_wait3A_57 = arith.constant 0 : i32
      %dma_wait3A_58 = tpu.memref_slice %arg3[%arg0, %arg1, %dma_wait3A_56, %dma_wait3A_57] : memref<2x16x160x128xi32, #tpu.memory_space<hbm>> -> memref<1x1x160x128xi32, #tpu.memory_space<hbm>>
      %dma_wait3A_59 = tpu.memref_squeeze %dma_wait3A_58 : memref<1x1x160x128xi32, #tpu.memory_space<hbm>> -> memref<160x128xi32, #tpu.memory_space<hbm>>
      tpu.wait_dma2 semaphore(%run_scoped3A : memref<!tpu.dma_semaphore, #tpu.memory_space<semaphore_mem>>) src(%dma_wait3A_59 : memref<160x128xi32, #tpu.memory_space<hbm>>) dst(%arg9 : memref<160x128xi32, #tpu.memory_space<vmem>>)
      tpu.yield
    }) : () -> ()
    "tpu.region"() ({
      %run_scoped3A = tpu.sem_alloc : memref<!tpu.dma_semaphore, #tpu.memory_space<semaphore_mem>>
      %dma_start3A_45 = arith.constant 0 : i32
      %dma_start3A_46 = arith.constant 0 : i32
      %dma_start3A_47 = tpu.memref_slice %arg4[%arg0, %arg1, %dma_start3A_45, %dma_start3A_46] : memref<2x16x160x128xi32, #tpu.memory_space<hbm>> -> memref<1x1x160x128xi32, #tpu.memory_space<hbm>>
      %dma_start3A_48 = tpu.memref_squeeze %dma_start3A_47 : memref<1x1x160x128xi32, #tpu.memory_space<hbm>> -> memref<160x128xi32, #tpu.memory_space<hbm>>
      %dma_start3A_49 = arith.constant 0 : i32
      %dma_start3A_50 = arith.constant 0 : i32
      %dma_start3A_51 = tpu.memref_slice %arg4[%arg0, %arg1, %dma_start3A_49, %dma_start3A_50] : memref<2x16x160x128xi32, #tpu.memory_space<hbm>> -> memref<1x1x160x128xi32, #tpu.memory_space<hbm>>
      %dma_start3A_52 = tpu.memref_squeeze %dma_start3A_51 : memref<1x1x160x128xi32, #tpu.memory_space<hbm>> -> memref<160x128xi32, #tpu.memory_space<hbm>>
      tpu.enqueue_dma source(%dma_start3A_52 : memref<160x128xi32, #tpu.memory_space<hbm>>) target(%arg10 : memref<160x128xi32, #tpu.memory_space<vmem>>) target_semaphore(%run_scoped3A : memref<!tpu.dma_semaphore, #tpu.memory_space<semaphore_mem>>)
      %dma_wait3A = arith.constant 0 : i32
      %dma_wait3A_53 = arith.constant 0 : i32
      %dma_wait3A_54 = tpu.memref_slice %arg4[%arg0, %arg1, %dma_wait3A, %dma_wait3A_53] : memref<2x16x160x128xi32, #tpu.memory_space<hbm>> -> memref<1x1x160x128xi32, #tpu.memory_space<hbm>>
      %dma_wait3A_55 = tpu.memref_squeeze %dma_wait3A_54 : memref<1x1x160x128xi32, #tpu.memory_space<hbm>> -> memref<160x128xi32, #tpu.memory_space<hbm>>
      %dma_wait3A_56 = arith.constant 0 : i32
      %dma_wait3A_57 = arith.constant 0 : i32
      %dma_wait3A_58 = tpu.memref_slice %arg4[%arg0, %arg1, %dma_wait3A_56, %dma_wait3A_57] : memref<2x16x160x128xi32, #tpu.memory_space<hbm>> -> memref<1x1x160x128xi32, #tpu.memory_space<hbm>>
      %dma_wait3A_59 = tpu.memref_squeeze %dma_wait3A_58 : memref<1x1x160x128xi32, #tpu.memory_space<hbm>> -> memref<160x128xi32, #tpu.memory_space<hbm>>
      tpu.wait_dma2 semaphore(%run_scoped3A : memref<!tpu.dma_semaphore, #tpu.memory_space<semaphore_mem>>) src(%dma_wait3A_59 : memref<160x128xi32, #tpu.memory_space<hbm>>) dst(%arg10 : memref<160x128xi32, #tpu.memory_space<vmem>>)
      tpu.yield
    }) : () -> ()
    "tpu.region"() ({
      %run_scoped3A = tpu.sem_alloc : memref<!tpu.dma_semaphore, #tpu.memory_space<semaphore_mem>>
      tpu.enqueue_dma source(%arg5 : memref<8x64xf32, #tpu.memory_space<hbm>>) target(%arg16 : memref<8x64xf32, #tpu.memory_space<vmem>>) target_semaphore(%run_scoped3A : memref<!tpu.dma_semaphore, #tpu.memory_space<semaphore_mem>>)
      tpu.wait_dma2 semaphore(%run_scoped3A : memref<!tpu.dma_semaphore, #tpu.memory_space<semaphore_mem>>) src(%arg5 : memref<8x64xf32, #tpu.memory_space<hbm>>) dst(%arg16 : memref<8x64xf32, #tpu.memory_space<vmem>>)
      tpu.yield
    }) : () -> ()
    "tpu.region"() ({
      %run_scoped3A = tpu.sem_alloc : memref<!tpu.dma_semaphore, #tpu.memory_space<semaphore_mem>>
      tpu.enqueue_dma source(%arg6 : memref<80x128xf32, #tpu.memory_space<hbm>>) target(%arg15 : memref<80x128xf32, #tpu.memory_space<vmem>>) target_semaphore(%run_scoped3A : memref<!tpu.dma_semaphore, #tpu.memory_space<semaphore_mem>>)
      tpu.wait_dma2 semaphore(%run_scoped3A : memref<!tpu.dma_semaphore, #tpu.memory_space<semaphore_mem>>) src(%arg6 : memref<80x128xf32, #tpu.memory_space<hbm>>) dst(%arg15 : memref<80x128xf32, #tpu.memory_space<vmem>>)
      tpu.yield
    }) : () -> ()
    %scan3A = arith.constant 0 : i32
    %scan3A_0 = arith.constant 0 : i32
    %scan3A_1 = arith.constant 80 : i32
    %scan3A_2 = arith.addi %scan3A_0, %scan3A_1 : i32
    %scan3A_3 = arith.constant 1 : i32
    scf.for %scan3A_45 = %scan3A_0 to %scan3A_2 step %scan3A_3  : i32 {
      %mul3A_46 = arith.constant 640 : i32
      %mul3A_47 = arith.muli %arg1, %mul3A_46 : i32
      %mul3A_48 = arith.constant 8 : i32
      %mul3A_49 = arith.muli %scan3A_45, %mul3A_48 : i32
      %add3A = arith.addi %mul3A_47, %mul3A_49 : i32
      "tpu.region"() ({
        %run_scoped3A = tpu.sem_alloc : memref<!tpu.dma_semaphore, #tpu.memory_space<semaphore_mem>>
        %dma_start3A_50 = arith.constant 0 : i32
        %dma_start3A_51 = tpu.memref_slice %arg17[%add3A, %dma_start3A_50] : memref<10240x64xf32, #tpu.memory_space<vmem_shared>> -> memref<8x64xf32, #tpu.memory_space<vmem_shared>>
        %dma_start3A_52 = arith.constant 0 : i32
        %dma_start3A_53 = tpu.memref_slice %arg17[%add3A, %dma_start3A_52] : memref<10240x64xf32, #tpu.memory_space<vmem_shared>> -> memref<8x64xf32, #tpu.memory_space<vmem_shared>>
        tpu.enqueue_dma source(%arg16 : memref<8x64xf32, #tpu.memory_space<vmem>>) target(%dma_start3A_53 : memref<8x64xf32, #tpu.memory_space<vmem_shared>>) target_semaphore(%run_scoped3A : memref<!tpu.dma_semaphore, #tpu.memory_space<semaphore_mem>>)
        %dma_wait3A = arith.constant 0 : i32
        %dma_wait3A_54 = tpu.memref_slice %arg17[%add3A, %dma_wait3A] : memref<10240x64xf32, #tpu.memory_space<vmem_shared>> -> memref<8x64xf32, #tpu.memory_space<vmem_shared>>
        %dma_wait3A_55 = arith.constant 0 : i32
        %dma_wait3A_56 = tpu.memref_slice %arg17[%add3A, %dma_wait3A_55] : memref<10240x64xf32, #tpu.memory_space<vmem_shared>> -> memref<8x64xf32, #tpu.memory_space<vmem_shared>>
        tpu.wait_dma2 semaphore(%run_scoped3A : memref<!tpu.dma_semaphore, #tpu.memory_space<semaphore_mem>>) src(%arg16 : memref<8x64xf32, #tpu.memory_space<vmem>>) dst(%dma_wait3A_56 : memref<8x64xf32, #tpu.memory_space<vmem_shared>>)
        tpu.yield
      }) : () -> ()
    }
    %scan3A_4 = arith.constant 80 : i32
    %barrier3A = arith.constant 0 : index
    tpu.barrier barrier_id(%barrier3A)
    %broadcast_in_dim3A = arith.constant 1.000000e+00 : f32
    %broadcast_in_dim3A_5 = vector.broadcast %broadcast_in_dim3A : f32 to vector<16xf32>
    %dma_start3A = arith.constant 0 : i32
    %dma_start3A_6 = arith.constant 0 : i32
    %dma_start3A_7 = tpu.memref_slice %arg9[%dma_start3A, %dma_start3A_6] : memref<160x128xi32, #tpu.memory_space<vmem>> -> memref<1x128xi32, #tpu.memory_space<vmem>>
    %dma_start3A_8 = tpu.memref_squeeze %dma_start3A_7 : memref<1x128xi32, #tpu.memory_space<vmem>> -> memref<128xi32, #tpu.memory_space<vmem>>
    %dma_start3A_9 = arith.constant 0 : i32
    %dma_start3A_10 = arith.constant 0 : i32
    %dma_start3A_11 = tpu.memref_slice %arg2[%dma_start3A_9, %dma_start3A_10] : memref<20480x64xf32, #tpu.memory_space<hbm>> -> memref<20480x64xf32, #tpu.memory_space<hbm>>
    tpu.enqueue_indirect_dma source(%dma_start3A_11 : memref<20480x64xf32, #tpu.memory_space<hbm>>) target(%arg11 : memref<128x64xf32, #tpu.memory_space<vmem>>) offsets(%dma_start3A_8 : memref<128xi32, #tpu.memory_space<vmem>>) semaphore(%arg18 : memref<!tpu.dma_semaphore, #tpu.memory_space<semaphore_mem>>)
    %dma_start3A_12 = arith.constant 1 : i32
    %dma_start3A_13 = arith.constant 0 : i32
    %dma_start3A_14 = tpu.memref_slice %arg9[%dma_start3A_12, %dma_start3A_13] : memref<160x128xi32, #tpu.memory_space<vmem>> -> memref<1x128xi32, #tpu.memory_space<vmem>>
    %dma_start3A_15 = tpu.memref_squeeze %dma_start3A_14 : memref<1x128xi32, #tpu.memory_space<vmem>> -> memref<128xi32, #tpu.memory_space<vmem>>
    %dma_start3A_16 = arith.constant 0 : i32
    %dma_start3A_17 = arith.constant 0 : i32
    %dma_start3A_18 = tpu.memref_slice %arg2[%dma_start3A_16, %dma_start3A_17] : memref<20480x64xf32, #tpu.memory_space<hbm>> -> memref<20480x64xf32, #tpu.memory_space<hbm>>
    tpu.enqueue_indirect_dma source(%dma_start3A_18 : memref<20480x64xf32, #tpu.memory_space<hbm>>) target(%arg12 : memref<128x64xf32, #tpu.memory_space<vmem>>) offsets(%dma_start3A_15 : memref<128xi32, #tpu.memory_space<vmem>>) semaphore(%arg18 : memref<!tpu.dma_semaphore, #tpu.memory_space<semaphore_mem>>)
    %dma_start3A_19 = arith.constant 2 : i32
    %dma_start3A_20 = arith.constant 0 : i32
    %dma_start3A_21 = tpu.memref_slice %arg9[%dma_start3A_19, %dma_start3A_20] : memref<160x128xi32, #tpu.memory_space<vmem>> -> memref<1x128xi32, #tpu.memory_space<vmem>>
    %dma_start3A_22 = tpu.memref_squeeze %dma_start3A_21 : memref<1x128xi32, #tpu.memory_space<vmem>> -> memref<128xi32, #tpu.memory_space<vmem>>
    %dma_start3A_23 = arith.constant 0 : i32
    %dma_start3A_24 = arith.constant 0 : i32
    %dma_start3A_25 = tpu.memref_slice %arg2[%dma_start3A_23, %dma_start3A_24] : memref<20480x64xf32, #tpu.memory_space<hbm>> -> memref<20480x64xf32, #tpu.memory_space<hbm>>
    tpu.enqueue_indirect_dma source(%dma_start3A_25 : memref<20480x64xf32, #tpu.memory_space<hbm>>) target(%arg13 : memref<128x64xf32, #tpu.memory_space<vmem>>) offsets(%dma_start3A_22 : memref<128xi32, #tpu.memory_space<vmem>>) semaphore(%arg18 : memref<!tpu.dma_semaphore, #tpu.memory_space<semaphore_mem>>)
    %dma_start3A_26 = arith.constant 3 : i32
    %dma_start3A_27 = arith.constant 0 : i32
    %dma_start3A_28 = tpu.memref_slice %arg9[%dma_start3A_26, %dma_start3A_27] : memref<160x128xi32, #tpu.memory_space<vmem>> -> memref<1x128xi32, #tpu.memory_space<vmem>>
    %dma_start3A_29 = tpu.memref_squeeze %dma_start3A_28 : memref<1x128xi32, #tpu.memory_space<vmem>> -> memref<128xi32, #tpu.memory_space<vmem>>
    %dma_start3A_30 = arith.constant 0 : i32
    %dma_start3A_31 = arith.constant 0 : i32
    %dma_start3A_32 = tpu.memref_slice %arg2[%dma_start3A_30, %dma_start3A_31] : memref<20480x64xf32, #tpu.memory_space<hbm>> -> memref<20480x64xf32, #tpu.memory_space<hbm>>
    tpu.enqueue_indirect_dma source(%dma_start3A_32 : memref<20480x64xf32, #tpu.memory_space<hbm>>) target(%arg14 : memref<128x64xf32, #tpu.memory_space<vmem>>) offsets(%dma_start3A_29 : memref<128xi32, #tpu.memory_space<vmem>>) semaphore(%arg18 : memref<!tpu.dma_semaphore, #tpu.memory_space<semaphore_mem>>)
    %scan3A_33 = arith.constant 0 : i32
    %scan3A_34 = arith.constant 0 : i32
    %scan3A_35 = arith.constant 40 : i32
    %scan3A_36 = arith.addi %scan3A_34, %scan3A_35 : i32
    %scan3A_37 = arith.constant 1 : i32
    scf.for %scan3A_45 = %scan3A_34 to %scan3A_36 step %scan3A_37  : i32 {
      %mul3A_46 = arith.constant 4 : i32
      %mul3A_47 = arith.muli %scan3A_45, %mul3A_46 : i32
      %add3A = arith.constant 0 : i32
      %add3A_48 = arith.addi %mul3A_47, %add3A : i32
      %dma_wait3A = arith.constant 0 : i32
      %dma_wait3A_49 = tpu.memref_slice %arg9[%add3A_48, %dma_wait3A] : memref<160x128xi32, #tpu.memory_space<vmem>> -> memref<1x128xi32, #tpu.memory_space<vmem>>
      %dma_wait3A_50 = tpu.memref_squeeze %dma_wait3A_49 : memref<1x128xi32, #tpu.memory_space<vmem>> -> memref<128xi32, #tpu.memory_space<vmem>>
      %dma_wait3A_51 = arith.constant 0 : i32
      %dma_wait3A_52 = arith.constant 0 : i32
      %dma_wait3A_53 = tpu.memref_slice %arg2[%dma_wait3A_51, %dma_wait3A_52] : memref<20480x64xf32, #tpu.memory_space<hbm>> -> memref<20480x64xf32, #tpu.memory_space<hbm>>
      tpu.wait_indirect_dma semaphore(%arg18 : memref<!tpu.dma_semaphore, #tpu.memory_space<semaphore_mem>>) src(%dma_wait3A_53 : memref<20480x64xf32, #tpu.memory_space<hbm>>) dst(%arg11 : memref<128x64xf32, #tpu.memory_space<vmem>>)
      %dma_start3A_54 = arith.constant 0 : i32
      %dma_start3A_55 = tpu.memref_slice %arg10[%add3A_48, %dma_start3A_54] : memref<160x128xi32, #tpu.memory_space<vmem>> -> memref<1x128xi32, #tpu.memory_space<vmem>>
      %dma_start3A_56 = tpu.memref_squeeze %dma_start3A_55 : memref<1x128xi32, #tpu.memory_space<vmem>> -> memref<128xi32, #tpu.memory_space<vmem>>
      %dma_start3A_57 = arith.constant 0 : i32
      %dma_start3A_58 = arith.constant 0 : i32
      %dma_start3A_59 = tpu.memref_slice %arg17[%dma_start3A_57, %dma_start3A_58] : memref<10240x64xf32, #tpu.memory_space<vmem_shared>> -> memref<10240x64xf32, #tpu.memory_space<vmem_shared>>
      tpu.enqueue_indirect_dma source(%arg11 : memref<128x64xf32, #tpu.memory_space<vmem>>) target(%dma_start3A_59 : memref<10240x64xf32, #tpu.memory_space<vmem_shared>>) offsets(%dma_start3A_56 : memref<128xi32, #tpu.memory_space<vmem>>) semaphore(%arg19 : memref<!tpu.dma_semaphore, #tpu.memory_space<semaphore_mem>>) {add = true}
      %eq3A_60 = arith.constant 0 : i32
      %eq3A_61 = arith.cmpi eq, %arg0, %eq3A_60 : i32
      %convert_element_type3A_62 = arith.extui %eq3A_61 : i1 to i32
      %cond3A_63 = arith.constant 0 : i32
      %cond3A_64 = arith.cmpi ne, %convert_element_type3A_62, %cond3A_63 : i32
      scf.if %cond3A_64 {
        %get3A = arith.index_cast %add3A_48 : i32 to index
        %get3A_179 = arith.constant 0 : index
        %get3A_180 = tpu.vector_load %arg10[%get3A, %get3A_179] {strides = array<i32>} : memref<160x128xi32, #tpu.memory_space<vmem>>, vector<16xi32>,
        %shift_right_arithmetic3A = arith.constant 7 : i32
        %shift_right_arithmetic3A_181 = vector.broadcast %shift_right_arithmetic3A : i32 to vector<16xi32>
        %shift_right_arithmetic3A_182 = arith.shrsi %get3A_180, %shift_right_arithmetic3A_181 : vector<16xi32>
        %and3A = arith.constant 127 : i32
        %and3A_183 = vector.broadcast %and3A : i32 to vector<16xi32>
        %and3A_184 = arith.andi %get3A_180, %and3A_183 : vector<16xi32>
        tpu.vector_store_idx %arg15[%shift_right_arithmetic3A_182, %and3A_184], %broadcast_in_dim3A_5 {add = true} : memref<80x128xf32, #tpu.memory_space<vmem>>[vector<16xi32>, vector<16xi32>], vector<16xf32>,
        %get3A_185 = arith.index_cast %add3A_48 : i32 to index
        %get3A_186 = arith.constant 16 : index
        %get3A_187 = tpu.vector_load %arg10[%get3A_185, %get3A_186] {strides = array<i32>} : memref<160x128xi32, #tpu.memory_space<vmem>>, vector<16xi32>,
        %shift_right_arithmetic3A_188 = arith.constant 7 : i32
        %shift_right_arithmetic3A_189 = vector.broadcast %shift_right_arithmetic3A_188 : i32 to vector<16xi32>
        %shift_right_arithmetic3A_190 = arith.shrsi %get3A_187, %shift_right_arithmetic3A_189 : vector<16xi32>
        %and3A_191 = arith.constant 127 : i32
        %and3A_192 = vector.broadcast %and3A_191 : i32 to vector<16xi32>
        %and3A_193 = arith.andi %get3A_187, %and3A_192 : vector<16xi32>
        tpu.vector_store_idx %arg15[%shift_right_arithmetic3A_190, %and3A_193], %broadcast_in_dim3A_5 {add = true} : memref<80x128xf32, #tpu.memory_space<vmem>>[vector<16xi32>, vector<16xi32>], vector<16xf32>,
        %get3A_194 = arith.index_cast %add3A_48 : i32 to index
        %get3A_195 = arith.constant 32 : index
        %get3A_196 = tpu.vector_load %arg10[%get3A_194, %get3A_195] {strides = array<i32>} : memref<160x128xi32, #tpu.memory_space<vmem>>, vector<16xi32>,
        %shift_right_arithmetic3A_197 = arith.constant 7 : i32
        %shift_right_arithmetic3A_198 = vector.broadcast %shift_right_arithmetic3A_197 : i32 to vector<16xi32>
        %shift_right_arithmetic3A_199 = arith.shrsi %get3A_196, %shift_right_arithmetic3A_198 : vector<16xi32>
        %and3A_200 = arith.constant 127 : i32
        %and3A_201 = vector.broadcast %and3A_200 : i32 to vector<16xi32>
        %and3A_202 = arith.andi %get3A_196, %and3A_201 : vector<16xi32>
        tpu.vector_store_idx %arg15[%shift_right_arithmetic3A_199, %and3A_202], %broadcast_in_dim3A_5 {add = true} : memref<80x128xf32, #tpu.memory_space<vmem>>[vector<16xi32>, vector<16xi32>], vector<16xf32>,
        %get3A_203 = arith.index_cast %add3A_48 : i32 to index
        %get3A_204 = arith.constant 48 : index
        %get3A_205 = tpu.vector_load %arg10[%get3A_203, %get3A_204] {strides = array<i32>} : memref<160x128xi32, #tpu.memory_space<vmem>>, vector<16xi32>,
        %shift_right_arithmetic3A_206 = arith.constant 7 : i32
        %shift_right_arithmetic3A_207 = vector.broadcast %shift_right_arithmetic3A_206 : i32 to vector<16xi32>
        %shift_right_arithmetic3A_208 = arith.shrsi %get3A_205, %shift_right_arithmetic3A_207 : vector<16xi32>
        %and3A_209 = arith.constant 127 : i32
        %and3A_210 = vector.broadcast %and3A_209 : i32 to vector<16xi32>
        %and3A_211 = arith.andi %get3A_205, %and3A_210 : vector<16xi32>
        tpu.vector_store_idx %arg15[%shift_right_arithmetic3A_208, %and3A_211], %broadcast_in_dim3A_5 {add = true} : memref<80x128xf32, #tpu.memory_space<vmem>>[vector<16xi32>, vector<16xi32>], vector<16xf32>,
        %get3A_212 = arith.index_cast %add3A_48 : i32 to index
        %get3A_213 = arith.constant 64 : index
        %get3A_214 = tpu.vector_load %arg10[%get3A_212, %get3A_213] {strides = array<i32>} : memref<160x128xi32, #tpu.memory_space<vmem>>, vector<16xi32>,
        %shift_right_arithmetic3A_215 = arith.constant 7 : i32
        %shift_right_arithmetic3A_216 = vector.broadcast %shift_right_arithmetic3A_215 : i32 to vector<16xi32>
        %shift_right_arithmetic3A_217 = arith.shrsi %get3A_214, %shift_right_arithmetic3A_216 : vector<16xi32>
        %and3A_218 = arith.constant 127 : i32
        %and3A_219 = vector.broadcast %and3A_218 : i32 to vector<16xi32>
        %and3A_220 = arith.andi %get3A_214, %and3A_219 : vector<16xi32>
        tpu.vector_store_idx %arg15[%shift_right_arithmetic3A_217, %and3A_220], %broadcast_in_dim3A_5 {add = true} : memref<80x128xf32, #tpu.memory_space<vmem>>[vector<16xi32>, vector<16xi32>], vector<16xf32>,
        %get3A_221 = arith.index_cast %add3A_48 : i32 to index
        %get3A_222 = arith.constant 80 : index
        %get3A_223 = tpu.vector_load %arg10[%get3A_221, %get3A_222] {strides = array<i32>} : memref<160x128xi32, #tpu.memory_space<vmem>>, vector<16xi32>,
        %shift_right_arithmetic3A_224 = arith.constant 7 : i32
        %shift_right_arithmetic3A_225 = vector.broadcast %shift_right_arithmetic3A_224 : i32 to vector<16xi32>
        %shift_right_arithmetic3A_226 = arith.shrsi %get3A_223, %shift_right_arithmetic3A_225 : vector<16xi32>
        %and3A_227 = arith.constant 127 : i32
        %and3A_228 = vector.broadcast %and3A_227 : i32 to vector<16xi32>
        %and3A_229 = arith.andi %get3A_223, %and3A_228 : vector<16xi32>
        tpu.vector_store_idx %arg15[%shift_right_arithmetic3A_226, %and3A_229], %broadcast_in_dim3A_5 {add = true} : memref<80x128xf32, #tpu.memory_space<vmem>>[vector<16xi32>, vector<16xi32>], vector<16xf32>,
        %get3A_230 = arith.index_cast %add3A_48 : i32 to index
        %get3A_231 = arith.constant 96 : index
        %get3A_232 = tpu.vector_load %arg10[%get3A_230, %get3A_231] {strides = array<i32>} : memref<160x128xi32, #tpu.memory_space<vmem>>, vector<16xi32>,
        %shift_right_arithmetic3A_233 = arith.constant 7 : i32
        %shift_right_arithmetic3A_234 = vector.broadcast %shift_right_arithmetic3A_233 : i32 to vector<16xi32>
        %shift_right_arithmetic3A_235 = arith.shrsi %get3A_232, %shift_right_arithmetic3A_234 : vector<16xi32>
        %and3A_236 = arith.constant 127 : i32
        %and3A_237 = vector.broadcast %and3A_236 : i32 to vector<16xi32>
        %and3A_238 = arith.andi %get3A_232, %and3A_237 : vector<16xi32>
        tpu.vector_store_idx %arg15[%shift_right_arithmetic3A_235, %and3A_238], %broadcast_in_dim3A_5 {add = true} : memref<80x128xf32, #tpu.memory_space<vmem>>[vector<16xi32>, vector<16xi32>], vector<16xf32>,
        %get3A_239 = arith.index_cast %add3A_48 : i32 to index
        %get3A_240 = arith.constant 112 : index
        %get3A_241 = tpu.vector_load %arg10[%get3A_239, %get3A_240] {strides = array<i32>} : memref<160x128xi32, #tpu.memory_space<vmem>>, vector<16xi32>,
        %shift_right_arithmetic3A_242 = arith.constant 7 : i32
        %shift_right_arithmetic3A_243 = vector.broadcast %shift_right_arithmetic3A_242 : i32 to vector<16xi32>
        %shift_right_arithmetic3A_244 = arith.shrsi %get3A_241, %shift_right_arithmetic3A_243 : vector<16xi32>
        %and3A_245 = arith.constant 127 : i32
        %and3A_246 = vector.broadcast %and3A_245 : i32 to vector<16xi32>
        %and3A_247 = arith.andi %get3A_241, %and3A_246 : vector<16xi32>
        tpu.vector_store_idx %arg15[%shift_right_arithmetic3A_244, %and3A_247], %broadcast_in_dim3A_5 {add = true} : memref<80x128xf32, #tpu.memory_space<vmem>>[vector<16xi32>, vector<16xi32>], vector<16xf32>,
      } else {
      }
      %dma_wait3A_65 = arith.constant 0 : i32
      %dma_wait3A_66 = tpu.memref_slice %arg10[%add3A_48, %dma_wait3A_65] : memref<160x128xi32, #tpu.memory_space<vmem>> -> memref<1x128xi32, #tpu.memory_space<vmem>>
      %dma_wait3A_67 = tpu.memref_squeeze %dma_wait3A_66 : memref<1x128xi32, #tpu.memory_space<vmem>> -> memref<128xi32, #tpu.memory_space<vmem>>
      %dma_wait3A_68 = arith.constant 0 : i32
      %dma_wait3A_69 = arith.constant 0 : i32
      %dma_wait3A_70 = tpu.memref_slice %arg17[%dma_wait3A_68, %dma_wait3A_69] : memref<10240x64xf32, #tpu.memory_space<vmem_shared>> -> memref<10240x64xf32, #tpu.memory_space<vmem_shared>>
      tpu.wait_indirect_dma semaphore(%arg19 : memref<!tpu.dma_semaphore, #tpu.memory_space<semaphore_mem>>) src(%arg11 : memref<128x64xf32, #tpu.memory_space<vmem>>) dst(%dma_wait3A_70 : memref<10240x64xf32, #tpu.memory_space<vmem_shared>>)
      %add3A_71 = arith.constant 4 : i32
      %add3A_72 = arith.addi %add3A_48, %add3A_71 : i32
      %lt3A = arith.constant 160 : i32
      %lt3A_73 = arith.cmpi slt, %add3A_72, %lt3A : i32
      %convert_element_type3A_74 = arith.extui %lt3A_73 : i1 to i32
      %cond3A_75 = arith.constant 0 : i32
      %cond3A_76 = arith.cmpi ne, %convert_element_type3A_74, %cond3A_75 : i32
      scf.if %cond3A_76 {
        %dma_start3A_179 = arith.constant 0 : i32
        %dma_start3A_180 = tpu.memref_slice %arg9[%add3A_72, %dma_start3A_179] : memref<160x128xi32, #tpu.memory_space<vmem>> -> memref<1x128xi32, #tpu.memory_space<vmem>>
        %dma_start3A_181 = tpu.memref_squeeze %dma_start3A_180 : memref<1x128xi32, #tpu.memory_space<vmem>> -> memref<128xi32, #tpu.memory_space<vmem>>
        %dma_start3A_182 = arith.constant 0 : i32
        %dma_start3A_183 = arith.constant 0 : i32
        %dma_start3A_184 = tpu.memref_slice %arg2[%dma_start3A_182, %dma_start3A_183] : memref<20480x64xf32, #tpu.memory_space<hbm>> -> memref<20480x64xf32, #tpu.memory_space<hbm>>
        tpu.enqueue_indirect_dma source(%dma_start3A_184 : memref<20480x64xf32, #tpu.memory_space<hbm>>) target(%arg11 : memref<128x64xf32, #tpu.memory_space<vmem>>) offsets(%dma_start3A_181 : memref<128xi32, #tpu.memory_space<vmem>>) semaphore(%arg18 : memref<!tpu.dma_semaphore, #tpu.memory_space<semaphore_mem>>)
      } else {
      }
      %mul3A_77 = arith.constant 4 : i32
      %mul3A_78 = arith.muli %scan3A_45, %mul3A_77 : i32
      %add3A_79 = arith.constant 1 : i32
      %add3A_80 = arith.addi %mul3A_78, %add3A_79 : i32
      %dma_wait3A_81 = arith.constant 0 : i32
      %dma_wait3A_82 = tpu.memref_slice %arg9[%add3A_80, %dma_wait3A_81] : memref<160x128xi32, #tpu.memory_space<vmem>> -> memref<1x128xi32, #tpu.memory_space<vmem>>
      %dma_wait3A_83 = tpu.memref_squeeze %dma_wait3A_82 : memref<1x128xi32, #tpu.memory_space<vmem>> -> memref<128xi32, #tpu.memory_space<vmem>>
      %dma_wait3A_84 = arith.constant 0 : i32
      %dma_wait3A_85 = arith.constant 0 : i32
      %dma_wait3A_86 = tpu.memref_slice %arg2[%dma_wait3A_84, %dma_wait3A_85] : memref<20480x64xf32, #tpu.memory_space<hbm>> -> memref<20480x64xf32, #tpu.memory_space<hbm>>
      tpu.wait_indirect_dma semaphore(%arg18 : memref<!tpu.dma_semaphore, #tpu.memory_space<semaphore_mem>>) src(%dma_wait3A_86 : memref<20480x64xf32, #tpu.memory_space<hbm>>) dst(%arg12 : memref<128x64xf32, #tpu.memory_space<vmem>>)
      %dma_start3A_87 = arith.constant 0 : i32
      %dma_start3A_88 = tpu.memref_slice %arg10[%add3A_80, %dma_start3A_87] : memref<160x128xi32, #tpu.memory_space<vmem>> -> memref<1x128xi32, #tpu.memory_space<vmem>>
      %dma_start3A_89 = tpu.memref_squeeze %dma_start3A_88 : memref<1x128xi32, #tpu.memory_space<vmem>> -> memref<128xi32, #tpu.memory_space<vmem>>
      %dma_start3A_90 = arith.constant 0 : i32
      %dma_start3A_91 = arith.constant 0 : i32
      %dma_start3A_92 = tpu.memref_slice %arg17[%dma_start3A_90, %dma_start3A_91] : memref<10240x64xf32, #tpu.memory_space<vmem_shared>> -> memref<10240x64xf32, #tpu.memory_space<vmem_shared>>
      tpu.enqueue_indirect_dma source(%arg12 : memref<128x64xf32, #tpu.memory_space<vmem>>) target(%dma_start3A_92 : memref<10240x64xf32, #tpu.memory_space<vmem_shared>>) offsets(%dma_start3A_89 : memref<128xi32, #tpu.memory_space<vmem>>) semaphore(%arg19 : memref<!tpu.dma_semaphore, #tpu.memory_space<semaphore_mem>>) {add = true}
      %eq3A_93 = arith.constant 0 : i32
      %eq3A_94 = arith.cmpi eq, %arg0, %eq3A_93 : i32
      %convert_element_type3A_95 = arith.extui %eq3A_94 : i1 to i32
      %cond3A_96 = arith.constant 0 : i32
      %cond3A_97 = arith.cmpi ne, %convert_element_type3A_95, %cond3A_96 : i32
      scf.if %cond3A_97 {
        %get3A = arith.index_cast %add3A_80 : i32 to index
        %get3A_179 = arith.constant 0 : index
        %get3A_180 = tpu.vector_load %arg10[%get3A, %get3A_179] {strides = array<i32>} : memref<160x128xi32, #tpu.memory_space<vmem>>, vector<16xi32>,
        %shift_right_arithmetic3A = arith.constant 7 : i32
        %shift_right_arithmetic3A_181 = vector.broadcast %shift_right_arithmetic3A : i32 to vector<16xi32>
        %shift_right_arithmetic3A_182 = arith.shrsi %get3A_180, %shift_right_arithmetic3A_181 : vector<16xi32>
        %and3A = arith.constant 127 : i32
        %and3A_183 = vector.broadcast %and3A : i32 to vector<16xi32>
        %and3A_184 = arith.andi %get3A_180, %and3A_183 : vector<16xi32>
        tpu.vector_store_idx %arg15[%shift_right_arithmetic3A_182, %and3A_184], %broadcast_in_dim3A_5 {add = true} : memref<80x128xf32, #tpu.memory_space<vmem>>[vector<16xi32>, vector<16xi32>], vector<16xf32>,
        %get3A_185 = arith.index_cast %add3A_80 : i32 to index
        %get3A_186 = arith.constant 16 : index
        %get3A_187 = tpu.vector_load %arg10[%get3A_185, %get3A_186] {strides = array<i32>} : memref<160x128xi32, #tpu.memory_space<vmem>>, vector<16xi32>,
        %shift_right_arithmetic3A_188 = arith.constant 7 : i32
        %shift_right_arithmetic3A_189 = vector.broadcast %shift_right_arithmetic3A_188 : i32 to vector<16xi32>
        %shift_right_arithmetic3A_190 = arith.shrsi %get3A_187, %shift_right_arithmetic3A_189 : vector<16xi32>
        %and3A_191 = arith.constant 127 : i32
        %and3A_192 = vector.broadcast %and3A_191 : i32 to vector<16xi32>
        %and3A_193 = arith.andi %get3A_187, %and3A_192 : vector<16xi32>
        tpu.vector_store_idx %arg15[%shift_right_arithmetic3A_190, %and3A_193], %broadcast_in_dim3A_5 {add = true} : memref<80x128xf32, #tpu.memory_space<vmem>>[vector<16xi32>, vector<16xi32>], vector<16xf32>,
        %get3A_194 = arith.index_cast %add3A_80 : i32 to index
        %get3A_195 = arith.constant 32 : index
        %get3A_196 = tpu.vector_load %arg10[%get3A_194, %get3A_195] {strides = array<i32>} : memref<160x128xi32, #tpu.memory_space<vmem>>, vector<16xi32>,
        %shift_right_arithmetic3A_197 = arith.constant 7 : i32
        %shift_right_arithmetic3A_198 = vector.broadcast %shift_right_arithmetic3A_197 : i32 to vector<16xi32>
        %shift_right_arithmetic3A_199 = arith.shrsi %get3A_196, %shift_right_arithmetic3A_198 : vector<16xi32>
        %and3A_200 = arith.constant 127 : i32
        %and3A_201 = vector.broadcast %and3A_200 : i32 to vector<16xi32>
        %and3A_202 = arith.andi %get3A_196, %and3A_201 : vector<16xi32>
        tpu.vector_store_idx %arg15[%shift_right_arithmetic3A_199, %and3A_202], %broadcast_in_dim3A_5 {add = true} : memref<80x128xf32, #tpu.memory_space<vmem>>[vector<16xi32>, vector<16xi32>], vector<16xf32>,
        %get3A_203 = arith.index_cast %add3A_80 : i32 to index
        %get3A_204 = arith.constant 48 : index
        %get3A_205 = tpu.vector_load %arg10[%get3A_203, %get3A_204] {strides = array<i32>} : memref<160x128xi32, #tpu.memory_space<vmem>>, vector<16xi32>,
        %shift_right_arithmetic3A_206 = arith.constant 7 : i32
        %shift_right_arithmetic3A_207 = vector.broadcast %shift_right_arithmetic3A_206 : i32 to vector<16xi32>
        %shift_right_arithmetic3A_208 = arith.shrsi %get3A_205, %shift_right_arithmetic3A_207 : vector<16xi32>
        %and3A_209 = arith.constant 127 : i32
        %and3A_210 = vector.broadcast %and3A_209 : i32 to vector<16xi32>
        %and3A_211 = arith.andi %get3A_205, %and3A_210 : vector<16xi32>
        tpu.vector_store_idx %arg15[%shift_right_arithmetic3A_208, %and3A_211], %broadcast_in_dim3A_5 {add = true} : memref<80x128xf32, #tpu.memory_space<vmem>>[vector<16xi32>, vector<16xi32>], vector<16xf32>,
        %get3A_212 = arith.index_cast %add3A_80 : i32 to index
        %get3A_213 = arith.constant 64 : index
        %get3A_214 = tpu.vector_load %arg10[%get3A_212, %get3A_213] {strides = array<i32>} : memref<160x128xi32, #tpu.memory_space<vmem>>, vector<16xi32>,
        %shift_right_arithmetic3A_215 = arith.constant 7 : i32
        %shift_right_arithmetic3A_216 = vector.broadcast %shift_right_arithmetic3A_215 : i32 to vector<16xi32>
        %shift_right_arithmetic3A_217 = arith.shrsi %get3A_214, %shift_right_arithmetic3A_216 : vector<16xi32>
        %and3A_218 = arith.constant 127 : i32
        %and3A_219 = vector.broadcast %and3A_218 : i32 to vector<16xi32>
        %and3A_220 = arith.andi %get3A_214, %and3A_219 : vector<16xi32>
        tpu.vector_store_idx %arg15[%shift_right_arithmetic3A_217, %and3A_220], %broadcast_in_dim3A_5 {add = true} : memref<80x128xf32, #tpu.memory_space<vmem>>[vector<16xi32>, vector<16xi32>], vector<16xf32>,
        %get3A_221 = arith.index_cast %add3A_80 : i32 to index
        %get3A_222 = arith.constant 80 : index
        %get3A_223 = tpu.vector_load %arg10[%get3A_221, %get3A_222] {strides = array<i32>} : memref<160x128xi32, #tpu.memory_space<vmem>>, vector<16xi32>,
        %shift_right_arithmetic3A_224 = arith.constant 7 : i32
        %shift_right_arithmetic3A_225 = vector.broadcast %shift_right_arithmetic3A_224 : i32 to vector<16xi32>
        %shift_right_arithmetic3A_226 = arith.shrsi %get3A_223, %shift_right_arithmetic3A_225 : vector<16xi32>
        %and3A_227 = arith.constant 127 : i32
        %and3A_228 = vector.broadcast %and3A_227 : i32 to vector<16xi32>
        %and3A_229 = arith.andi %get3A_223, %and3A_228 : vector<16xi32>
        tpu.vector_store_idx %arg15[%shift_right_arithmetic3A_226, %and3A_229], %broadcast_in_dim3A_5 {add = true} : memref<80x128xf32, #tpu.memory_space<vmem>>[vector<16xi32>, vector<16xi32>], vector<16xf32>,
        %get3A_230 = arith.index_cast %add3A_80 : i32 to index
        %get3A_231 = arith.constant 96 : index
        %get3A_232 = tpu.vector_load %arg10[%get3A_230, %get3A_231] {strides = array<i32>} : memref<160x128xi32, #tpu.memory_space<vmem>>, vector<16xi32>,
        %shift_right_arithmetic3A_233 = arith.constant 7 : i32
        %shift_right_arithmetic3A_234 = vector.broadcast %shift_right_arithmetic3A_233 : i32 to vector<16xi32>
        %shift_right_arithmetic3A_235 = arith.shrsi %get3A_232, %shift_right_arithmetic3A_234 : vector<16xi32>
        %and3A_236 = arith.constant 127 : i32
        %and3A_237 = vector.broadcast %and3A_236 : i32 to vector<16xi32>
        %and3A_238 = arith.andi %get3A_232, %and3A_237 : vector<16xi32>
        tpu.vector_store_idx %arg15[%shift_right_arithmetic3A_235, %and3A_238], %broadcast_in_dim3A_5 {add = true} : memref<80x128xf32, #tpu.memory_space<vmem>>[vector<16xi32>, vector<16xi32>], vector<16xf32>,
        %get3A_239 = arith.index_cast %add3A_80 : i32 to index
        %get3A_240 = arith.constant 112 : index
        %get3A_241 = tpu.vector_load %arg10[%get3A_239, %get3A_240] {strides = array<i32>} : memref<160x128xi32, #tpu.memory_space<vmem>>, vector<16xi32>,
        %shift_right_arithmetic3A_242 = arith.constant 7 : i32
        %shift_right_arithmetic3A_243 = vector.broadcast %shift_right_arithmetic3A_242 : i32 to vector<16xi32>
        %shift_right_arithmetic3A_244 = arith.shrsi %get3A_241, %shift_right_arithmetic3A_243 : vector<16xi32>
        %and3A_245 = arith.constant 127 : i32
        %and3A_246 = vector.broadcast %and3A_245 : i32 to vector<16xi32>
        %and3A_247 = arith.andi %get3A_241, %and3A_246 : vector<16xi32>
        tpu.vector_store_idx %arg15[%shift_right_arithmetic3A_244, %and3A_247], %broadcast_in_dim3A_5 {add = true} : memref<80x128xf32, #tpu.memory_space<vmem>>[vector<16xi32>, vector<16xi32>], vector<16xf32>,
      } else {
      }
      %dma_wait3A_98 = arith.constant 0 : i32
      %dma_wait3A_99 = tpu.memref_slice %arg10[%add3A_80, %dma_wait3A_98] : memref<160x128xi32, #tpu.memory_space<vmem>> -> memref<1x128xi32, #tpu.memory_space<vmem>>
      %dma_wait3A_100 = tpu.memref_squeeze %dma_wait3A_99 : memref<1x128xi32, #tpu.memory_space<vmem>> -> memref<128xi32, #tpu.memory_space<vmem>>
      %dma_wait3A_101 = arith.constant 0 : i32
      %dma_wait3A_102 = arith.constant 0 : i32
      %dma_wait3A_103 = tpu.memref_slice %arg17[%dma_wait3A_101, %dma_wait3A_102] : memref<10240x64xf32, #tpu.memory_space<vmem_shared>> -> memref<10240x64xf32, #tpu.memory_space<vmem_shared>>
      tpu.wait_indirect_dma semaphore(%arg19 : memref<!tpu.dma_semaphore, #tpu.memory_space<semaphore_mem>>) src(%arg12 : memref<128x64xf32, #tpu.memory_space<vmem>>) dst(%dma_wait3A_103 : memref<10240x64xf32, #tpu.memory_space<vmem_shared>>)
      %add3A_104 = arith.constant 4 : i32
      %add3A_105 = arith.addi %add3A_80, %add3A_104 : i32
      %lt3A_106 = arith.constant 160 : i32
      %lt3A_107 = arith.cmpi slt, %add3A_105, %lt3A_106 : i32
      %convert_element_type3A_108 = arith.extui %lt3A_107 : i1 to i32
      %cond3A_109 = arith.constant 0 : i32
      %cond3A_110 = arith.cmpi ne, %convert_element_type3A_108, %cond3A_109 : i32
      scf.if %cond3A_110 {
        %dma_start3A_179 = arith.constant 0 : i32
        %dma_start3A_180 = tpu.memref_slice %arg9[%add3A_105, %dma_start3A_179] : memref<160x128xi32, #tpu.memory_space<vmem>> -> memref<1x128xi32, #tpu.memory_space<vmem>>
        %dma_start3A_181 = tpu.memref_squeeze %dma_start3A_180 : memref<1x128xi32, #tpu.memory_space<vmem>> -> memref<128xi32, #tpu.memory_space<vmem>>
        %dma_start3A_182 = arith.constant 0 : i32
        %dma_start3A_183 = arith.constant 0 : i32
        %dma_start3A_184 = tpu.memref_slice %arg2[%dma_start3A_182, %dma_start3A_183] : memref<20480x64xf32, #tpu.memory_space<hbm>> -> memref<20480x64xf32, #tpu.memory_space<hbm>>
        tpu.enqueue_indirect_dma source(%dma_start3A_184 : memref<20480x64xf32, #tpu.memory_space<hbm>>) target(%arg12 : memref<128x64xf32, #tpu.memory_space<vmem>>) offsets(%dma_start3A_181 : memref<128xi32, #tpu.memory_space<vmem>>) semaphore(%arg18 : memref<!tpu.dma_semaphore, #tpu.memory_space<semaphore_mem>>)
      } else {
      }
      %mul3A_111 = arith.constant 4 : i32
      %mul3A_112 = arith.muli %scan3A_45, %mul3A_111 : i32
      %add3A_113 = arith.constant 2 : i32
      %add3A_114 = arith.addi %mul3A_112, %add3A_113 : i32
      %dma_wait3A_115 = arith.constant 0 : i32
      %dma_wait3A_116 = tpu.memref_slice %arg9[%add3A_114, %dma_wait3A_115] : memref<160x128xi32, #tpu.memory_space<vmem>> -> memref<1x128xi32, #tpu.memory_space<vmem>>
      %dma_wait3A_117 = tpu.memref_squeeze %dma_wait3A_116 : memref<1x128xi32, #tpu.memory_space<vmem>> -> memref<128xi32, #tpu.memory_space<vmem>>
      %dma_wait3A_118 = arith.constant 0 : i32
      %dma_wait3A_119 = arith.constant 0 : i32
      %dma_wait3A_120 = tpu.memref_slice %arg2[%dma_wait3A_118, %dma_wait3A_119] : memref<20480x64xf32, #tpu.memory_space<hbm>> -> memref<20480x64xf32, #tpu.memory_space<hbm>>
      tpu.wait_indirect_dma semaphore(%arg18 : memref<!tpu.dma_semaphore, #tpu.memory_space<semaphore_mem>>) src(%dma_wait3A_120 : memref<20480x64xf32, #tpu.memory_space<hbm>>) dst(%arg13 : memref<128x64xf32, #tpu.memory_space<vmem>>)
      %dma_start3A_121 = arith.constant 0 : i32
      %dma_start3A_122 = tpu.memref_slice %arg10[%add3A_114, %dma_start3A_121] : memref<160x128xi32, #tpu.memory_space<vmem>> -> memref<1x128xi32, #tpu.memory_space<vmem>>
      %dma_start3A_123 = tpu.memref_squeeze %dma_start3A_122 : memref<1x128xi32, #tpu.memory_space<vmem>> -> memref<128xi32, #tpu.memory_space<vmem>>
      %dma_start3A_124 = arith.constant 0 : i32
      %dma_start3A_125 = arith.constant 0 : i32
      %dma_start3A_126 = tpu.memref_slice %arg17[%dma_start3A_124, %dma_start3A_125] : memref<10240x64xf32, #tpu.memory_space<vmem_shared>> -> memref<10240x64xf32, #tpu.memory_space<vmem_shared>>
      tpu.enqueue_indirect_dma source(%arg13 : memref<128x64xf32, #tpu.memory_space<vmem>>) target(%dma_start3A_126 : memref<10240x64xf32, #tpu.memory_space<vmem_shared>>) offsets(%dma_start3A_123 : memref<128xi32, #tpu.memory_space<vmem>>) semaphore(%arg19 : memref<!tpu.dma_semaphore, #tpu.memory_space<semaphore_mem>>) {add = true}
      %eq3A_127 = arith.constant 0 : i32
      %eq3A_128 = arith.cmpi eq, %arg0, %eq3A_127 : i32
      %convert_element_type3A_129 = arith.extui %eq3A_128 : i1 to i32
      %cond3A_130 = arith.constant 0 : i32
      %cond3A_131 = arith.cmpi ne, %convert_element_type3A_129, %cond3A_130 : i32
      scf.if %cond3A_131 {
        %get3A = arith.index_cast %add3A_114 : i32 to index
        %get3A_179 = arith.constant 0 : index
        %get3A_180 = tpu.vector_load %arg10[%get3A, %get3A_179] {strides = array<i32>} : memref<160x128xi32, #tpu.memory_space<vmem>>, vector<16xi32>,
        %shift_right_arithmetic3A = arith.constant 7 : i32
        %shift_right_arithmetic3A_181 = vector.broadcast %shift_right_arithmetic3A : i32 to vector<16xi32>
        %shift_right_arithmetic3A_182 = arith.shrsi %get3A_180, %shift_right_arithmetic3A_181 : vector<16xi32>
        %and3A = arith.constant 127 : i32
        %and3A_183 = vector.broadcast %and3A : i32 to vector<16xi32>
        %and3A_184 = arith.andi %get3A_180, %and3A_183 : vector<16xi32>
        tpu.vector_store_idx %arg15[%shift_right_arithmetic3A_182, %and3A_184], %broadcast_in_dim3A_5 {add = true} : memref<80x128xf32, #tpu.memory_space<vmem>>[vector<16xi32>, vector<16xi32>], vector<16xf32>,
        %get3A_185 = arith.index_cast %add3A_114 : i32 to index
        %get3A_186 = arith.constant 16 : index
        %get3A_187 = tpu.vector_load %arg10[%get3A_185, %get3A_186] {strides = array<i32>} : memref<160x128xi32, #tpu.memory_space<vmem>>, vector<16xi32>,
        %shift_right_arithmetic3A_188 = arith.constant 7 : i32
        %shift_right_arithmetic3A_189 = vector.broadcast %shift_right_arithmetic3A_188 : i32 to vector<16xi32>
        %shift_right_arithmetic3A_190 = arith.shrsi %get3A_187, %shift_right_arithmetic3A_189 : vector<16xi32>
        %and3A_191 = arith.constant 127 : i32
        %and3A_192 = vector.broadcast %and3A_191 : i32 to vector<16xi32>
        %and3A_193 = arith.andi %get3A_187, %and3A_192 : vector<16xi32>
        tpu.vector_store_idx %arg15[%shift_right_arithmetic3A_190, %and3A_193], %broadcast_in_dim3A_5 {add = true} : memref<80x128xf32, #tpu.memory_space<vmem>>[vector<16xi32>, vector<16xi32>], vector<16xf32>,
        %get3A_194 = arith.index_cast %add3A_114 : i32 to index
        %get3A_195 = arith.constant 32 : index
        %get3A_196 = tpu.vector_load %arg10[%get3A_194, %get3A_195] {strides = array<i32>} : memref<160x128xi32, #tpu.memory_space<vmem>>, vector<16xi32>,
        %shift_right_arithmetic3A_197 = arith.constant 7 : i32
        %shift_right_arithmetic3A_198 = vector.broadcast %shift_right_arithmetic3A_197 : i32 to vector<16xi32>
        %shift_right_arithmetic3A_199 = arith.shrsi %get3A_196, %shift_right_arithmetic3A_198 : vector<16xi32>
        %and3A_200 = arith.constant 127 : i32
        %and3A_201 = vector.broadcast %and3A_200 : i32 to vector<16xi32>
        %and3A_202 = arith.andi %get3A_196, %and3A_201 : vector<16xi32>
        tpu.vector_store_idx %arg15[%shift_right_arithmetic3A_199, %and3A_202], %broadcast_in_dim3A_5 {add = true} : memref<80x128xf32, #tpu.memory_space<vmem>>[vector<16xi32>, vector<16xi32>], vector<16xf32>,
        %get3A_203 = arith.index_cast %add3A_114 : i32 to index
        %get3A_204 = arith.constant 48 : index
        %get3A_205 = tpu.vector_load %arg10[%get3A_203, %get3A_204] {strides = array<i32>} : memref<160x128xi32, #tpu.memory_space<vmem>>, vector<16xi32>,
        %shift_right_arithmetic3A_206 = arith.constant 7 : i32
        %shift_right_arithmetic3A_207 = vector.broadcast %shift_right_arithmetic3A_206 : i32 to vector<16xi32>
        %shift_right_arithmetic3A_208 = arith.shrsi %get3A_205, %shift_right_arithmetic3A_207 : vector<16xi32>
        %and3A_209 = arith.constant 127 : i32
        %and3A_210 = vector.broadcast %and3A_209 : i32 to vector<16xi32>
        %and3A_211 = arith.andi %get3A_205, %and3A_210 : vector<16xi32>
        tpu.vector_store_idx %arg15[%shift_right_arithmetic3A_208, %and3A_211], %broadcast_in_dim3A_5 {add = true} : memref<80x128xf32, #tpu.memory_space<vmem>>[vector<16xi32>, vector<16xi32>], vector<16xf32>,
        %get3A_212 = arith.index_cast %add3A_114 : i32 to index
        %get3A_213 = arith.constant 64 : index
        %get3A_214 = tpu.vector_load %arg10[%get3A_212, %get3A_213] {strides = array<i32>} : memref<160x128xi32, #tpu.memory_space<vmem>>, vector<16xi32>,
        %shift_right_arithmetic3A_215 = arith.constant 7 : i32
        %shift_right_arithmetic3A_216 = vector.broadcast %shift_right_arithmetic3A_215 : i32 to vector<16xi32>
        %shift_right_arithmetic3A_217 = arith.shrsi %get3A_214, %shift_right_arithmetic3A_216 : vector<16xi32>
        %and3A_218 = arith.constant 127 : i32
        %and3A_219 = vector.broadcast %and3A_218 : i32 to vector<16xi32>
        %and3A_220 = arith.andi %get3A_214, %and3A_219 : vector<16xi32>
        tpu.vector_store_idx %arg15[%shift_right_arithmetic3A_217, %and3A_220], %broadcast_in_dim3A_5 {add = true} : memref<80x128xf32, #tpu.memory_space<vmem>>[vector<16xi32>, vector<16xi32>], vector<16xf32>,
        %get3A_221 = arith.index_cast %add3A_114 : i32 to index
        %get3A_222 = arith.constant 80 : index
        %get3A_223 = tpu.vector_load %arg10[%get3A_221, %get3A_222] {strides = array<i32>} : memref<160x128xi32, #tpu.memory_space<vmem>>, vector<16xi32>,
        %shift_right_arithmetic3A_224 = arith.constant 7 : i32
        %shift_right_arithmetic3A_225 = vector.broadcast %shift_right_arithmetic3A_224 : i32 to vector<16xi32>
        %shift_right_arithmetic3A_226 = arith.shrsi %get3A_223, %shift_right_arithmetic3A_225 : vector<16xi32>
        %and3A_227 = arith.constant 127 : i32
        %and3A_228 = vector.broadcast %and3A_227 : i32 to vector<16xi32>
        %and3A_229 = arith.andi %get3A_223, %and3A_228 : vector<16xi32>
        tpu.vector_store_idx %arg15[%shift_right_arithmetic3A_226, %and3A_229], %broadcast_in_dim3A_5 {add = true} : memref<80x128xf32, #tpu.memory_space<vmem>>[vector<16xi32>, vector<16xi32>], vector<16xf32>,
        %get3A_230 = arith.index_cast %add3A_114 : i32 to index
        %get3A_231 = arith.constant 96 : index
        %get3A_232 = tpu.vector_load %arg10[%get3A_230, %get3A_231] {strides = array<i32>} : memref<160x128xi32, #tpu.memory_space<vmem>>, vector<16xi32>,
        %shift_right_arithmetic3A_233 = arith.constant 7 : i32
        %shift_right_arithmetic3A_234 = vector.broadcast %shift_right_arithmetic3A_233 : i32 to vector<16xi32>
        %shift_right_arithmetic3A_235 = arith.shrsi %get3A_232, %shift_right_arithmetic3A_234 : vector<16xi32>
        %and3A_236 = arith.constant 127 : i32
        %and3A_237 = vector.broadcast %and3A_236 : i32 to vector<16xi32>
        %and3A_238 = arith.andi %get3A_232, %and3A_237 : vector<16xi32>
        tpu.vector_store_idx %arg15[%shift_right_arithmetic3A_235, %and3A_238], %broadcast_in_dim3A_5 {add = true} : memref<80x128xf32, #tpu.memory_space<vmem>>[vector<16xi32>, vector<16xi32>], vector<16xf32>,
        %get3A_239 = arith.index_cast %add3A_114 : i32 to index
        %get3A_240 = arith.constant 112 : index
        %get3A_241 = tpu.vector_load %arg10[%get3A_239, %get3A_240] {strides = array<i32>} : memref<160x128xi32, #tpu.memory_space<vmem>>, vector<16xi32>,
        %shift_right_arithmetic3A_242 = arith.constant 7 : i32
        %shift_right_arithmetic3A_243 = vector.broadcast %shift_right_arithmetic3A_242 : i32 to vector<16xi32>
        %shift_right_arithmetic3A_244 = arith.shrsi %get3A_241, %shift_right_arithmetic3A_243 : vector<16xi32>
        %and3A_245 = arith.constant 127 : i32
        %and3A_246 = vector.broadcast %and3A_245 : i32 to vector<16xi32>
        %and3A_247 = arith.andi %get3A_241, %and3A_246 : vector<16xi32>
        tpu.vector_store_idx %arg15[%shift_right_arithmetic3A_244, %and3A_247], %broadcast_in_dim3A_5 {add = true} : memref<80x128xf32, #tpu.memory_space<vmem>>[vector<16xi32>, vector<16xi32>], vector<16xf32>,
      } else {
      }
      %dma_wait3A_132 = arith.constant 0 : i32
      %dma_wait3A_133 = tpu.memref_slice %arg10[%add3A_114, %dma_wait3A_132] : memref<160x128xi32, #tpu.memory_space<vmem>> -> memref<1x128xi32, #tpu.memory_space<vmem>>
      %dma_wait3A_134 = tpu.memref_squeeze %dma_wait3A_133 : memref<1x128xi32, #tpu.memory_space<vmem>> -> memref<128xi32, #tpu.memory_space<vmem>>
      %dma_wait3A_135 = arith.constant 0 : i32
      %dma_wait3A_136 = arith.constant 0 : i32
      %dma_wait3A_137 = tpu.memref_slice %arg17[%dma_wait3A_135, %dma_wait3A_136] : memref<10240x64xf32, #tpu.memory_space<vmem_shared>> -> memref<10240x64xf32, #tpu.memory_space<vmem_shared>>
      tpu.wait_indirect_dma semaphore(%arg19 : memref<!tpu.dma_semaphore, #tpu.memory_space<semaphore_mem>>) src(%arg13 : memref<128x64xf32, #tpu.memory_space<vmem>>) dst(%dma_wait3A_137 : memref<10240x64xf32, #tpu.memory_space<vmem_shared>>)
      %add3A_138 = arith.constant 4 : i32
      %add3A_139 = arith.addi %add3A_114, %add3A_138 : i32
      %lt3A_140 = arith.constant 160 : i32
      %lt3A_141 = arith.cmpi slt, %add3A_139, %lt3A_140 : i32
      %convert_element_type3A_142 = arith.extui %lt3A_141 : i1 to i32
      %cond3A_143 = arith.constant 0 : i32
      %cond3A_144 = arith.cmpi ne, %convert_element_type3A_142, %cond3A_143 : i32
      scf.if %cond3A_144 {
        %dma_start3A_179 = arith.constant 0 : i32
        %dma_start3A_180 = tpu.memref_slice %arg9[%add3A_139, %dma_start3A_179] : memref<160x128xi32, #tpu.memory_space<vmem>> -> memref<1x128xi32, #tpu.memory_space<vmem>>
        %dma_start3A_181 = tpu.memref_squeeze %dma_start3A_180 : memref<1x128xi32, #tpu.memory_space<vmem>> -> memref<128xi32, #tpu.memory_space<vmem>>
        %dma_start3A_182 = arith.constant 0 : i32
        %dma_start3A_183 = arith.constant 0 : i32
        %dma_start3A_184 = tpu.memref_slice %arg2[%dma_start3A_182, %dma_start3A_183] : memref<20480x64xf32, #tpu.memory_space<hbm>> -> memref<20480x64xf32, #tpu.memory_space<hbm>>
        tpu.enqueue_indirect_dma source(%dma_start3A_184 : memref<20480x64xf32, #tpu.memory_space<hbm>>) target(%arg13 : memref<128x64xf32, #tpu.memory_space<vmem>>) offsets(%dma_start3A_181 : memref<128xi32, #tpu.memory_space<vmem>>) semaphore(%arg18 : memref<!tpu.dma_semaphore, #tpu.memory_space<semaphore_mem>>)
      } else {
      }
      %mul3A_145 = arith.constant 4 : i32
      %mul3A_146 = arith.muli %scan3A_45, %mul3A_145 : i32
      %add3A_147 = arith.constant 3 : i32
      %add3A_148 = arith.addi %mul3A_146, %add3A_147 : i32
      %dma_wait3A_149 = arith.constant 0 : i32
      %dma_wait3A_150 = tpu.memref_slice %arg9[%add3A_148, %dma_wait3A_149] : memref<160x128xi32, #tpu.memory_space<vmem>> -> memref<1x128xi32, #tpu.memory_space<vmem>>
      %dma_wait3A_151 = tpu.memref_squeeze %dma_wait3A_150 : memref<1x128xi32, #tpu.memory_space<vmem>> -> memref<128xi32, #tpu.memory_space<vmem>>
      %dma_wait3A_152 = arith.constant 0 : i32
      %dma_wait3A_153 = arith.constant 0 : i32
      %dma_wait3A_154 = tpu.memref_slice %arg2[%dma_wait3A_152, %dma_wait3A_153] : memref<20480x64xf32, #tpu.memory_space<hbm>> -> memref<20480x64xf32, #tpu.memory_space<hbm>>
      tpu.wait_indirect_dma semaphore(%arg18 : memref<!tpu.dma_semaphore, #tpu.memory_space<semaphore_mem>>) src(%dma_wait3A_154 : memref<20480x64xf32, #tpu.memory_space<hbm>>) dst(%arg14 : memref<128x64xf32, #tpu.memory_space<vmem>>)
      %dma_start3A_155 = arith.constant 0 : i32
      %dma_start3A_156 = tpu.memref_slice %arg10[%add3A_148, %dma_start3A_155] : memref<160x128xi32, #tpu.memory_space<vmem>> -> memref<1x128xi32, #tpu.memory_space<vmem>>
      %dma_start3A_157 = tpu.memref_squeeze %dma_start3A_156 : memref<1x128xi32, #tpu.memory_space<vmem>> -> memref<128xi32, #tpu.memory_space<vmem>>
      %dma_start3A_158 = arith.constant 0 : i32
      %dma_start3A_159 = arith.constant 0 : i32
      %dma_start3A_160 = tpu.memref_slice %arg17[%dma_start3A_158, %dma_start3A_159] : memref<10240x64xf32, #tpu.memory_space<vmem_shared>> -> memref<10240x64xf32, #tpu.memory_space<vmem_shared>>
      tpu.enqueue_indirect_dma source(%arg14 : memref<128x64xf32, #tpu.memory_space<vmem>>) target(%dma_start3A_160 : memref<10240x64xf32, #tpu.memory_space<vmem_shared>>) offsets(%dma_start3A_157 : memref<128xi32, #tpu.memory_space<vmem>>) semaphore(%arg19 : memref<!tpu.dma_semaphore, #tpu.memory_space<semaphore_mem>>) {add = true}
      %eq3A_161 = arith.constant 0 : i32
      %eq3A_162 = arith.cmpi eq, %arg0, %eq3A_161 : i32
      %convert_element_type3A_163 = arith.extui %eq3A_162 : i1 to i32
      %cond3A_164 = arith.constant 0 : i32
      %cond3A_165 = arith.cmpi ne, %convert_element_type3A_163, %cond3A_164 : i32
      scf.if %cond3A_165 {
        %get3A = arith.index_cast %add3A_148 : i32 to index
        %get3A_179 = arith.constant 0 : index
        %get3A_180 = tpu.vector_load %arg10[%get3A, %get3A_179] {strides = array<i32>} : memref<160x128xi32, #tpu.memory_space<vmem>>, vector<16xi32>,
        %shift_right_arithmetic3A = arith.constant 7 : i32
        %shift_right_arithmetic3A_181 = vector.broadcast %shift_right_arithmetic3A : i32 to vector<16xi32>
        %shift_right_arithmetic3A_182 = arith.shrsi %get3A_180, %shift_right_arithmetic3A_181 : vector<16xi32>
        %and3A = arith.constant 127 : i32
        %and3A_183 = vector.broadcast %and3A : i32 to vector<16xi32>
        %and3A_184 = arith.andi %get3A_180, %and3A_183 : vector<16xi32>
        tpu.vector_store_idx %arg15[%shift_right_arithmetic3A_182, %and3A_184], %broadcast_in_dim3A_5 {add = true} : memref<80x128xf32, #tpu.memory_space<vmem>>[vector<16xi32>, vector<16xi32>], vector<16xf32>,
        %get3A_185 = arith.index_cast %add3A_148 : i32 to index
        %get3A_186 = arith.constant 16 : index
        %get3A_187 = tpu.vector_load %arg10[%get3A_185, %get3A_186] {strides = array<i32>} : memref<160x128xi32, #tpu.memory_space<vmem>>, vector<16xi32>,
        %shift_right_arithmetic3A_188 = arith.constant 7 : i32
        %shift_right_arithmetic3A_189 = vector.broadcast %shift_right_arithmetic3A_188 : i32 to vector<16xi32>
        %shift_right_arithmetic3A_190 = arith.shrsi %get3A_187, %shift_right_arithmetic3A_189 : vector<16xi32>
        %and3A_191 = arith.constant 127 : i32
        %and3A_192 = vector.broadcast %and3A_191 : i32 to vector<16xi32>
        %and3A_193 = arith.andi %get3A_187, %and3A_192 : vector<16xi32>
        tpu.vector_store_idx %arg15[%shift_right_arithmetic3A_190, %and3A_193], %broadcast_in_dim3A_5 {add = true} : memref<80x128xf32, #tpu.memory_space<vmem>>[vector<16xi32>, vector<16xi32>], vector<16xf32>,
        %get3A_194 = arith.index_cast %add3A_148 : i32 to index
        %get3A_195 = arith.constant 32 : index
        %get3A_196 = tpu.vector_load %arg10[%get3A_194, %get3A_195] {strides = array<i32>} : memref<160x128xi32, #tpu.memory_space<vmem>>, vector<16xi32>,
        %shift_right_arithmetic3A_197 = arith.constant 7 : i32
        %shift_right_arithmetic3A_198 = vector.broadcast %shift_right_arithmetic3A_197 : i32 to vector<16xi32>
        %shift_right_arithmetic3A_199 = arith.shrsi %get3A_196, %shift_right_arithmetic3A_198 : vector<16xi32>
        %and3A_200 = arith.constant 127 : i32
        %and3A_201 = vector.broadcast %and3A_200 : i32 to vector<16xi32>
        %and3A_202 = arith.andi %get3A_196, %and3A_201 : vector<16xi32>
        tpu.vector_store_idx %arg15[%shift_right_arithmetic3A_199, %and3A_202], %broadcast_in_dim3A_5 {add = true} : memref<80x128xf32, #tpu.memory_space<vmem>>[vector<16xi32>, vector<16xi32>], vector<16xf32>,
        %get3A_203 = arith.index_cast %add3A_148 : i32 to index
        %get3A_204 = arith.constant 48 : index
        %get3A_205 = tpu.vector_load %arg10[%get3A_203, %get3A_204] {strides = array<i32>} : memref<160x128xi32, #tpu.memory_space<vmem>>, vector<16xi32>,
        %shift_right_arithmetic3A_206 = arith.constant 7 : i32
        %shift_right_arithmetic3A_207 = vector.broadcast %shift_right_arithmetic3A_206 : i32 to vector<16xi32>
        %shift_right_arithmetic3A_208 = arith.shrsi %get3A_205, %shift_right_arithmetic3A_207 : vector<16xi32>
        %and3A_209 = arith.constant 127 : i32
        %and3A_210 = vector.broadcast %and3A_209 : i32 to vector<16xi32>
        %and3A_211 = arith.andi %get3A_205, %and3A_210 : vector<16xi32>
        tpu.vector_store_idx %arg15[%shift_right_arithmetic3A_208, %and3A_211], %broadcast_in_dim3A_5 {add = true} : memref<80x128xf32, #tpu.memory_space<vmem>>[vector<16xi32>, vector<16xi32>], vector<16xf32>,
        %get3A_212 = arith.index_cast %add3A_148 : i32 to index
        %get3A_213 = arith.constant 64 : index
        %get3A_214 = tpu.vector_load %arg10[%get3A_212, %get3A_213] {strides = array<i32>} : memref<160x128xi32, #tpu.memory_space<vmem>>, vector<16xi32>,
        %shift_right_arithmetic3A_215 = arith.constant 7 : i32
        %shift_right_arithmetic3A_216 = vector.broadcast %shift_right_arithmetic3A_215 : i32 to vector<16xi32>
        %shift_right_arithmetic3A_217 = arith.shrsi %get3A_214, %shift_right_arithmetic3A_216 : vector<16xi32>
        %and3A_218 = arith.constant 127 : i32
        %and3A_219 = vector.broadcast %and3A_218 : i32 to vector<16xi32>
        %and3A_220 = arith.andi %get3A_214, %and3A_219 : vector<16xi32>
        tpu.vector_store_idx %arg15[%shift_right_arithmetic3A_217, %and3A_220], %broadcast_in_dim3A_5 {add = true} : memref<80x128xf32, #tpu.memory_space<vmem>>[vector<16xi32>, vector<16xi32>], vector<16xf32>,
        %get3A_221 = arith.index_cast %add3A_148 : i32 to index
        %get3A_222 = arith.constant 80 : index
        %get3A_223 = tpu.vector_load %arg10[%get3A_221, %get3A_222] {strides = array<i32>} : memref<160x128xi32, #tpu.memory_space<vmem>>, vector<16xi32>,
        %shift_right_arithmetic3A_224 = arith.constant 7 : i32
        %shift_right_arithmetic3A_225 = vector.broadcast %shift_right_arithmetic3A_224 : i32 to vector<16xi32>
        %shift_right_arithmetic3A_226 = arith.shrsi %get3A_223, %shift_right_arithmetic3A_225 : vector<16xi32>
        %and3A_227 = arith.constant 127 : i32
        %and3A_228 = vector.broadcast %and3A_227 : i32 to vector<16xi32>
        %and3A_229 = arith.andi %get3A_223, %and3A_228 : vector<16xi32>
        tpu.vector_store_idx %arg15[%shift_right_arithmetic3A_226, %and3A_229], %broadcast_in_dim3A_5 {add = true} : memref<80x128xf32, #tpu.memory_space<vmem>>[vector<16xi32>, vector<16xi32>], vector<16xf32>,
        %get3A_230 = arith.index_cast %add3A_148 : i32 to index
        %get3A_231 = arith.constant 96 : index
        %get3A_232 = tpu.vector_load %arg10[%get3A_230, %get3A_231] {strides = array<i32>} : memref<160x128xi32, #tpu.memory_space<vmem>>, vector<16xi32>,
        %shift_right_arithmetic3A_233 = arith.constant 7 : i32
        %shift_right_arithmetic3A_234 = vector.broadcast %shift_right_arithmetic3A_233 : i32 to vector<16xi32>
        %shift_right_arithmetic3A_235 = arith.shrsi %get3A_232, %shift_right_arithmetic3A_234 : vector<16xi32>
        %and3A_236 = arith.constant 127 : i32
        %and3A_237 = vector.broadcast %and3A_236 : i32 to vector<16xi32>
        %and3A_238 = arith.andi %get3A_232, %and3A_237 : vector<16xi32>
        tpu.vector_store_idx %arg15[%shift_right_arithmetic3A_235, %and3A_238], %broadcast_in_dim3A_5 {add = true} : memref<80x128xf32, #tpu.memory_space<vmem>>[vector<16xi32>, vector<16xi32>], vector<16xf32>,
        %get3A_239 = arith.index_cast %add3A_148 : i32 to index
        %get3A_240 = arith.constant 112 : index
        %get3A_241 = tpu.vector_load %arg10[%get3A_239, %get3A_240] {strides = array<i32>} : memref<160x128xi32, #tpu.memory_space<vmem>>, vector<16xi32>,
        %shift_right_arithmetic3A_242 = arith.constant 7 : i32
        %shift_right_arithmetic3A_243 = vector.broadcast %shift_right_arithmetic3A_242 : i32 to vector<16xi32>
        %shift_right_arithmetic3A_244 = arith.shrsi %get3A_241, %shift_right_arithmetic3A_243 : vector<16xi32>
        %and3A_245 = arith.constant 127 : i32
        %and3A_246 = vector.broadcast %and3A_245 : i32 to vector<16xi32>
        %and3A_247 = arith.andi %get3A_241, %and3A_246 : vector<16xi32>
        tpu.vector_store_idx %arg15[%shift_right_arithmetic3A_244, %and3A_247], %broadcast_in_dim3A_5 {add = true} : memref<80x128xf32, #tpu.memory_space<vmem>>[vector<16xi32>, vector<16xi32>], vector<16xf32>,
      } else {
      }
      %dma_wait3A_166 = arith.constant 0 : i32
      %dma_wait3A_167 = tpu.memref_slice %arg10[%add3A_148, %dma_wait3A_166] : memref<160x128xi32, #tpu.memory_space<vmem>> -> memref<1x128xi32, #tpu.memory_space<vmem>>
      %dma_wait3A_168 = tpu.memref_squeeze %dma_wait3A_167 : memref<1x128xi32, #tpu.memory_space<vmem>> -> memref<128xi32, #tpu.memory_space<vmem>>
      %dma_wait3A_169 = arith.constant 0 : i32
      %dma_wait3A_170 = arith.constant 0 : i32
      %dma_wait3A_171 = tpu.memref_slice %arg17[%dma_wait3A_169, %dma_wait3A_170] : memref<10240x64xf32, #tpu.memory_space<vmem_shared>> -> memref<10240x64xf32, #tpu.memory_space<vmem_shared>>
      tpu.wait_indirect_dma semaphore(%arg19 : memref<!tpu.dma_semaphore, #tpu.memory_space<semaphore_mem>>) src(%arg14 : memref<128x64xf32, #tpu.memory_space<vmem>>) dst(%dma_wait3A_171 : memref<10240x64xf32, #tpu.memory_space<vmem_shared>>)
      %add3A_172 = arith.constant 4 : i32
      %add3A_173 = arith.addi %add3A_148, %add3A_172 : i32
      %lt3A_174 = arith.constant 160 : i32
      %lt3A_175 = arith.cmpi slt, %add3A_173, %lt3A_174 : i32
      %convert_element_type3A_176 = arith.extui %lt3A_175 : i1 to i32
      %cond3A_177 = arith.constant 0 : i32
      %cond3A_178 = arith.cmpi ne, %convert_element_type3A_176, %cond3A_177 : i32
      scf.if %cond3A_178 {
        %dma_start3A_179 = arith.constant 0 : i32
        %dma_start3A_180 = tpu.memref_slice %arg9[%add3A_173, %dma_start3A_179] : memref<160x128xi32, #tpu.memory_space<vmem>> -> memref<1x128xi32, #tpu.memory_space<vmem>>
        %dma_start3A_181 = tpu.memref_squeeze %dma_start3A_180 : memref<1x128xi32, #tpu.memory_space<vmem>> -> memref<128xi32, #tpu.memory_space<vmem>>
        %dma_start3A_182 = arith.constant 0 : i32
        %dma_start3A_183 = arith.constant 0 : i32
        %dma_start3A_184 = tpu.memref_slice %arg2[%dma_start3A_182, %dma_start3A_183] : memref<20480x64xf32, #tpu.memory_space<hbm>> -> memref<20480x64xf32, #tpu.memory_space<hbm>>
        tpu.enqueue_indirect_dma source(%dma_start3A_184 : memref<20480x64xf32, #tpu.memory_space<hbm>>) target(%arg14 : memref<128x64xf32, #tpu.memory_space<vmem>>) offsets(%dma_start3A_181 : memref<128xi32, #tpu.memory_space<vmem>>) semaphore(%arg18 : memref<!tpu.dma_semaphore, #tpu.memory_space<semaphore_mem>>)
      } else {
      }
    }
    %scan3A_38 = arith.constant 40 : i32
    %barrier3A_39 = arith.constant 0 : index
    tpu.barrier barrier_id(%barrier3A_39)
    %eq3A = arith.constant 0 : i32
    %eq3A_40 = arith.cmpi eq, %arg0, %eq3A : i32
    %convert_element_type3A = arith.extui %eq3A_40 : i1 to i32
    %cond3A = arith.constant 0 : i32
    %cond3A_41 = arith.cmpi ne, %convert_element_type3A, %cond3A : i32
    scf.if %cond3A_41 {
      "tpu.region"() ({
        %run_scoped3A = tpu.sem_alloc : memref<!tpu.dma_semaphore, #tpu.memory_space<semaphore_mem>>
        %dma_start3A_45 = arith.constant 0 : i32
        %dma_start3A_46 = arith.constant 0 : i32
        %dma_start3A_47 = tpu.memref_slice %arg8[%arg1, %dma_start3A_45, %dma_start3A_46] : memref<16x80x128xf32, #tpu.memory_space<hbm>> -> memref<1x80x128xf32, #tpu.memory_space<hbm>>
        %dma_start3A_48 = tpu.memref_squeeze %dma_start3A_47 : memref<1x80x128xf32, #tpu.memory_space<hbm>> -> memref<80x128xf32, #tpu.memory_space<hbm>>
        %dma_start3A_49 = arith.constant 0 : i32
        %dma_start3A_50 = arith.constant 0 : i32
        %dma_start3A_51 = tpu.memref_slice %arg8[%arg1, %dma_start3A_49, %dma_start3A_50] : memref<16x80x128xf32, #tpu.memory_space<hbm>> -> memref<1x80x128xf32, #tpu.memory_space<hbm>>
        %dma_start3A_52 = tpu.memref_squeeze %dma_start3A_51 : memref<1x80x128xf32, #tpu.memory_space<hbm>> -> memref<80x128xf32, #tpu.memory_space<hbm>>
        tpu.enqueue_dma source(%arg15 : memref<80x128xf32, #tpu.memory_space<vmem>>) target(%dma_start3A_52 : memref<80x128xf32, #tpu.memory_space<hbm>>) target_semaphore(%run_scoped3A : memref<!tpu.dma_semaphore, #tpu.memory_space<semaphore_mem>>)
        %dma_wait3A = arith.constant 0 : i32
        %dma_wait3A_53 = arith.constant 0 : i32
        %dma_wait3A_54 = tpu.memref_slice %arg8[%arg1, %dma_wait3A, %dma_wait3A_53] : memref<16x80x128xf32, #tpu.memory_space<hbm>> -> memref<1x80x128xf32, #tpu.memory_space<hbm>>
        %dma_wait3A_55 = tpu.memref_squeeze %dma_wait3A_54 : memref<1x80x128xf32, #tpu.memory_space<hbm>> -> memref<80x128xf32, #tpu.memory_space<hbm>>
        %dma_wait3A_56 = arith.constant 0 : i32
        %dma_wait3A_57 = arith.constant 0 : i32
        %dma_wait3A_58 = tpu.memref_slice %arg8[%arg1, %dma_wait3A_56, %dma_wait3A_57] : memref<16x80x128xf32, #tpu.memory_space<hbm>> -> memref<1x80x128xf32, #tpu.memory_space<hbm>>
        %dma_wait3A_59 = tpu.memref_squeeze %dma_wait3A_58 : memref<1x80x128xf32, #tpu.memory_space<hbm>> -> memref<80x128xf32, #tpu.memory_space<hbm>>
        tpu.wait_dma2 semaphore(%run_scoped3A : memref<!tpu.dma_semaphore, #tpu.memory_space<semaphore_mem>>) src(%arg15 : memref<80x128xf32, #tpu.memory_space<vmem>>) dst(%dma_wait3A_59 : memref<80x128xf32, #tpu.memory_space<hbm>>)
        tpu.yield
      }) : () -> ()
    } else {
    }
    %mul3A = arith.constant 640 : i32
    %mul3A_42 = arith.muli %arg1, %mul3A : i32
    %mul3A_43 = arith.constant 640 : i32
    %mul3A_44 = arith.muli %arg1, %mul3A_43 : i32
    "tpu.region"() ({
      %run_scoped3A = tpu.sem_alloc : memref<!tpu.dma_semaphore, #tpu.memory_space<semaphore_mem>>
      %dma_start3A_45 = arith.constant 0 : i32
      %dma_start3A_46 = tpu.memref_slice %arg7[%arg0, %mul3A_44, %dma_start3A_45] : memref<2x10240x64xf32, #tpu.memory_space<hbm>> -> memref<1x640x64xf32, #tpu.memory_space<hbm>>
      %dma_start3A_47 = tpu.memref_squeeze %dma_start3A_46 : memref<1x640x64xf32, #tpu.memory_space<hbm>> -> memref<640x64xf32, #tpu.memory_space<hbm>>
      %dma_start3A_48 = arith.constant 0 : i32
      %dma_start3A_49 = tpu.memref_slice %arg17[%mul3A_42, %dma_start3A_48] : memref<10240x64xf32, #tpu.memory_space<vmem_shared>> -> memref<640x64xf32, #tpu.memory_space<vmem_shared>>
      tpu.enqueue_dma source(%dma_start3A_49 : memref<640x64xf32, #tpu.memory_space<vmem_shared>>) target(%dma_start3A_47 : memref<640x64xf32, #tpu.memory_space<hbm>>) target_semaphore(%run_scoped3A : memref<!tpu.dma_semaphore, #tpu.memory_space<semaphore_mem>>)
      %dma_wait3A = arith.constant 0 : i32
      %dma_wait3A_50 = tpu.memref_slice %arg7[%arg0, %mul3A_44, %dma_wait3A] : memref<2x10240x64xf32, #tpu.memory_space<hbm>> -> memref<1x640x64xf32, #tpu.memory_space<hbm>>
      %dma_wait3A_51 = tpu.memref_squeeze %dma_wait3A_50 : memref<1x640x64xf32, #tpu.memory_space<hbm>> -> memref<640x64xf32, #tpu.memory_space<hbm>>
      %dma_wait3A_52 = arith.constant 0 : i32
      %dma_wait3A_53 = tpu.memref_slice %arg17[%mul3A_42, %dma_wait3A_52] : memref<10240x64xf32, #tpu.memory_space<vmem_shared>> -> memref<640x64xf32, #tpu.memory_space<vmem_shared>>
      tpu.wait_dma2 semaphore(%run_scoped3A : memref<!tpu.dma_semaphore, #tpu.memory_space<semaphore_mem>>) src(%dma_wait3A_53 : memref<640x64xf32, #tpu.memory_space<vmem_shared>>) dst(%dma_wait3A_51 : memref<640x64xf32, #tpu.memory_space<hbm>>)
      tpu.yield
    }) : () -> ()
    return
  }
}

#map = affine_map<(d0, d1) -> (0, 0)>
#map1 = affine_map<(d0, d1) -> (0, 0, 0, 0)>
#map2 = affine_map<(d0, d1) -> (0, 0, 0)>
module attributes {stable_mosaic.version = 14 : i64} {
  func.func @sc_segsum(%arg0: i32, %arg1: i32, %arg2: memref<20480x64xf32, #tpu.memory_space<hbm>>, %arg3: memref<2x16x160x128xi32, #tpu.memory_space<hbm>>, %arg4: memref<2x16x160x128xi32, #tpu.memory_space<hbm>>, %arg5: memref<8x64xf32, #tpu.memory_space<hbm>>, %arg6: memref<2x10240x64xf32, #tpu.memory_space<hbm>>, %arg7: memref<160x128xi32, #tpu.memory_space<vmem>>, %arg8: memref<160x128xi32, #tpu.memory_space<vmem>>, %arg9: memref<128x64xf32, #tpu.memory_space<vmem>>, %arg10: memref<128x64xf32, #tpu.memory_space<vmem>>, %arg11: memref<128x64xf32, #tpu.memory_space<vmem>>, %arg12: memref<128x64xf32, #tpu.memory_space<vmem>>, %arg13: memref<8x64xf32, #tpu.memory_space<vmem>>, %arg14: memref<10240x64xf32, #tpu.memory_space<vmem_shared>>, %arg15: memref<!tpu.dma_semaphore, #tpu.memory_space<semaphore_mem>>, %arg16: memref<!tpu.dma_semaphore, #tpu.memory_space<semaphore_mem>>) attributes {dimension_semantics = [#tpu.dimension_semantics<core_parallel>, #tpu.dimension_semantics<subcore_parallel>], iteration_bounds = array<i64: 2, 16>, scalar_prefetch = 0 : i64, scratch_operands = 10 : i64, tpu.core_type = #tpu.core_type<sc_vector_subcore>, window_params = [{transform_indices = #map}, {transform_indices = #map1}, {transform_indices = #map1}, {transform_indices = #map}, {transform_indices = #map2}]} {
    "tpu.region"() ({
      %run_scoped3A = tpu.sem_alloc : memref<!tpu.dma_semaphore, #tpu.memory_space<semaphore_mem>>
      %dma_start3A_43 = arith.constant 0 : i32
      %dma_start3A_44 = arith.constant 0 : i32
      %dma_start3A_45 = tpu.memref_slice %arg3[%arg0, %arg1, %dma_start3A_43, %dma_start3A_44] : memref<2x16x160x128xi32, #tpu.memory_space<hbm>> -> memref<1x1x160x128xi32, #tpu.memory_space<hbm>>
      %dma_start3A_46 = tpu.memref_squeeze %dma_start3A_45 : memref<1x1x160x128xi32, #tpu.memory_space<hbm>> -> memref<160x128xi32, #tpu.memory_space<hbm>>
      %dma_start3A_47 = arith.constant 0 : i32
      %dma_start3A_48 = arith.constant 0 : i32
      %dma_start3A_49 = tpu.memref_slice %arg3[%arg0, %arg1, %dma_start3A_47, %dma_start3A_48] : memref<2x16x160x128xi32, #tpu.memory_space<hbm>> -> memref<1x1x160x128xi32, #tpu.memory_space<hbm>>
      %dma_start3A_50 = tpu.memref_squeeze %dma_start3A_49 : memref<1x1x160x128xi32, #tpu.memory_space<hbm>> -> memref<160x128xi32, #tpu.memory_space<hbm>>
      tpu.enqueue_dma source(%dma_start3A_50 : memref<160x128xi32, #tpu.memory_space<hbm>>) target(%arg7 : memref<160x128xi32, #tpu.memory_space<vmem>>) target_semaphore(%run_scoped3A : memref<!tpu.dma_semaphore, #tpu.memory_space<semaphore_mem>>)
      %dma_wait3A = arith.constant 0 : i32
      %dma_wait3A_51 = arith.constant 0 : i32
      %dma_wait3A_52 = tpu.memref_slice %arg3[%arg0, %arg1, %dma_wait3A, %dma_wait3A_51] : memref<2x16x160x128xi32, #tpu.memory_space<hbm>> -> memref<1x1x160x128xi32, #tpu.memory_space<hbm>>
      %dma_wait3A_53 = tpu.memref_squeeze %dma_wait3A_52 : memref<1x1x160x128xi32, #tpu.memory_space<hbm>> -> memref<160x128xi32, #tpu.memory_space<hbm>>
      %dma_wait3A_54 = arith.constant 0 : i32
      %dma_wait3A_55 = arith.constant 0 : i32
      %dma_wait3A_56 = tpu.memref_slice %arg3[%arg0, %arg1, %dma_wait3A_54, %dma_wait3A_55] : memref<2x16x160x128xi32, #tpu.memory_space<hbm>> -> memref<1x1x160x128xi32, #tpu.memory_space<hbm>>
      %dma_wait3A_57 = tpu.memref_squeeze %dma_wait3A_56 : memref<1x1x160x128xi32, #tpu.memory_space<hbm>> -> memref<160x128xi32, #tpu.memory_space<hbm>>
      tpu.wait_dma2 semaphore(%run_scoped3A : memref<!tpu.dma_semaphore, #tpu.memory_space<semaphore_mem>>) src(%dma_wait3A_57 : memref<160x128xi32, #tpu.memory_space<hbm>>) dst(%arg7 : memref<160x128xi32, #tpu.memory_space<vmem>>)
      tpu.yield
    }) : () -> ()
    "tpu.region"() ({
      %run_scoped3A = tpu.sem_alloc : memref<!tpu.dma_semaphore, #tpu.memory_space<semaphore_mem>>
      %dma_start3A_43 = arith.constant 0 : i32
      %dma_start3A_44 = arith.constant 0 : i32
      %dma_start3A_45 = tpu.memref_slice %arg4[%arg0, %arg1, %dma_start3A_43, %dma_start3A_44] : memref<2x16x160x128xi32, #tpu.memory_space<hbm>> -> memref<1x1x160x128xi32, #tpu.memory_space<hbm>>
      %dma_start3A_46 = tpu.memref_squeeze %dma_start3A_45 : memref<1x1x160x128xi32, #tpu.memory_space<hbm>> -> memref<160x128xi32, #tpu.memory_space<hbm>>
      %dma_start3A_47 = arith.constant 0 : i32
      %dma_start3A_48 = arith.constant 0 : i32
      %dma_start3A_49 = tpu.memref_slice %arg4[%arg0, %arg1, %dma_start3A_47, %dma_start3A_48] : memref<2x16x160x128xi32, #tpu.memory_space<hbm>> -> memref<1x1x160x128xi32, #tpu.memory_space<hbm>>
      %dma_start3A_50 = tpu.memref_squeeze %dma_start3A_49 : memref<1x1x160x128xi32, #tpu.memory_space<hbm>> -> memref<160x128xi32, #tpu.memory_space<hbm>>
      tpu.enqueue_dma source(%dma_start3A_50 : memref<160x128xi32, #tpu.memory_space<hbm>>) target(%arg8 : memref<160x128xi32, #tpu.memory_space<vmem>>) target_semaphore(%run_scoped3A : memref<!tpu.dma_semaphore, #tpu.memory_space<semaphore_mem>>)
      %dma_wait3A = arith.constant 0 : i32
      %dma_wait3A_51 = arith.constant 0 : i32
      %dma_wait3A_52 = tpu.memref_slice %arg4[%arg0, %arg1, %dma_wait3A, %dma_wait3A_51] : memref<2x16x160x128xi32, #tpu.memory_space<hbm>> -> memref<1x1x160x128xi32, #tpu.memory_space<hbm>>
      %dma_wait3A_53 = tpu.memref_squeeze %dma_wait3A_52 : memref<1x1x160x128xi32, #tpu.memory_space<hbm>> -> memref<160x128xi32, #tpu.memory_space<hbm>>
      %dma_wait3A_54 = arith.constant 0 : i32
      %dma_wait3A_55 = arith.constant 0 : i32
      %dma_wait3A_56 = tpu.memref_slice %arg4[%arg0, %arg1, %dma_wait3A_54, %dma_wait3A_55] : memref<2x16x160x128xi32, #tpu.memory_space<hbm>> -> memref<1x1x160x128xi32, #tpu.memory_space<hbm>>
      %dma_wait3A_57 = tpu.memref_squeeze %dma_wait3A_56 : memref<1x1x160x128xi32, #tpu.memory_space<hbm>> -> memref<160x128xi32, #tpu.memory_space<hbm>>
      tpu.wait_dma2 semaphore(%run_scoped3A : memref<!tpu.dma_semaphore, #tpu.memory_space<semaphore_mem>>) src(%dma_wait3A_57 : memref<160x128xi32, #tpu.memory_space<hbm>>) dst(%arg8 : memref<160x128xi32, #tpu.memory_space<vmem>>)
      tpu.yield
    }) : () -> ()
    "tpu.region"() ({
      %run_scoped3A = tpu.sem_alloc : memref<!tpu.dma_semaphore, #tpu.memory_space<semaphore_mem>>
      tpu.enqueue_dma source(%arg5 : memref<8x64xf32, #tpu.memory_space<hbm>>) target(%arg13 : memref<8x64xf32, #tpu.memory_space<vmem>>) target_semaphore(%run_scoped3A : memref<!tpu.dma_semaphore, #tpu.memory_space<semaphore_mem>>)
      tpu.wait_dma2 semaphore(%run_scoped3A : memref<!tpu.dma_semaphore, #tpu.memory_space<semaphore_mem>>) src(%arg5 : memref<8x64xf32, #tpu.memory_space<hbm>>) dst(%arg13 : memref<8x64xf32, #tpu.memory_space<vmem>>)
      tpu.yield
    }) : () -> ()
    %scan3A = arith.constant 0 : i32
    %scan3A_0 = arith.constant 0 : i32
    %scan3A_1 = arith.constant 80 : i32
    %scan3A_2 = arith.addi %scan3A_0, %scan3A_1 : i32
    %scan3A_3 = arith.constant 1 : i32
    scf.for %scan3A_43 = %scan3A_0 to %scan3A_2 step %scan3A_3  : i32 {
      %mul3A_44 = arith.constant 640 : i32
      %mul3A_45 = arith.muli %arg1, %mul3A_44 : i32
      %mul3A_46 = arith.constant 8 : i32
      %mul3A_47 = arith.muli %scan3A_43, %mul3A_46 : i32
      %add3A = arith.addi %mul3A_45, %mul3A_47 : i32
      "tpu.region"() ({
        %run_scoped3A = tpu.sem_alloc : memref<!tpu.dma_semaphore, #tpu.memory_space<semaphore_mem>>
        %dma_start3A_48 = arith.constant 0 : i32
        %dma_start3A_49 = tpu.memref_slice %arg14[%add3A, %dma_start3A_48] : memref<10240x64xf32, #tpu.memory_space<vmem_shared>> -> memref<8x64xf32, #tpu.memory_space<vmem_shared>>
        %dma_start3A_50 = arith.constant 0 : i32
        %dma_start3A_51 = tpu.memref_slice %arg14[%add3A, %dma_start3A_50] : memref<10240x64xf32, #tpu.memory_space<vmem_shared>> -> memref<8x64xf32, #tpu.memory_space<vmem_shared>>
        tpu.enqueue_dma source(%arg13 : memref<8x64xf32, #tpu.memory_space<vmem>>) target(%dma_start3A_51 : memref<8x64xf32, #tpu.memory_space<vmem_shared>>) target_semaphore(%run_scoped3A : memref<!tpu.dma_semaphore, #tpu.memory_space<semaphore_mem>>)
        %dma_wait3A = arith.constant 0 : i32
        %dma_wait3A_52 = tpu.memref_slice %arg14[%add3A, %dma_wait3A] : memref<10240x64xf32, #tpu.memory_space<vmem_shared>> -> memref<8x64xf32, #tpu.memory_space<vmem_shared>>
        %dma_wait3A_53 = arith.constant 0 : i32
        %dma_wait3A_54 = tpu.memref_slice %arg14[%add3A, %dma_wait3A_53] : memref<10240x64xf32, #tpu.memory_space<vmem_shared>> -> memref<8x64xf32, #tpu.memory_space<vmem_shared>>
        tpu.wait_dma2 semaphore(%run_scoped3A : memref<!tpu.dma_semaphore, #tpu.memory_space<semaphore_mem>>) src(%arg13 : memref<8x64xf32, #tpu.memory_space<vmem>>) dst(%dma_wait3A_54 : memref<8x64xf32, #tpu.memory_space<vmem_shared>>)
        tpu.yield
      }) : () -> ()
    }
    %scan3A_4 = arith.constant 80 : i32
    %barrier3A = arith.constant 0 : index
    tpu.barrier barrier_id(%barrier3A)
    %broadcast_in_dim3A = arith.constant 1.000000e+00 : f32
    %broadcast_in_dim3A_5 = vector.broadcast %broadcast_in_dim3A : f32 to vector<16xf32>
    %dma_start3A = arith.constant 0 : i32
    %dma_start3A_6 = arith.constant 0 : i32
    %dma_start3A_7 = tpu.memref_slice %arg7[%dma_start3A, %dma_start3A_6] : memref<160x128xi32, #tpu.memory_space<vmem>> -> memref<1x128xi32, #tpu.memory_space<vmem>>
    %dma_start3A_8 = tpu.memref_squeeze %dma_start3A_7 : memref<1x128xi32, #tpu.memory_space<vmem>> -> memref<128xi32, #tpu.memory_space<vmem>>
    %dma_start3A_9 = arith.constant 0 : i32
    %dma_start3A_10 = arith.constant 0 : i32
    %dma_start3A_11 = tpu.memref_slice %arg2[%dma_start3A_9, %dma_start3A_10] : memref<20480x64xf32, #tpu.memory_space<hbm>> -> memref<20480x64xf32, #tpu.memory_space<hbm>>
    tpu.enqueue_indirect_dma source(%dma_start3A_11 : memref<20480x64xf32, #tpu.memory_space<hbm>>) target(%arg9 : memref<128x64xf32, #tpu.memory_space<vmem>>) offsets(%dma_start3A_8 : memref<128xi32, #tpu.memory_space<vmem>>) semaphore(%arg15 : memref<!tpu.dma_semaphore, #tpu.memory_space<semaphore_mem>>)
    %dma_start3A_12 = arith.constant 1 : i32
    %dma_start3A_13 = arith.constant 0 : i32
    %dma_start3A_14 = tpu.memref_slice %arg7[%dma_start3A_12, %dma_start3A_13] : memref<160x128xi32, #tpu.memory_space<vmem>> -> memref<1x128xi32, #tpu.memory_space<vmem>>
    %dma_start3A_15 = tpu.memref_squeeze %dma_start3A_14 : memref<1x128xi32, #tpu.memory_space<vmem>> -> memref<128xi32, #tpu.memory_space<vmem>>
    %dma_start3A_16 = arith.constant 0 : i32
    %dma_start3A_17 = arith.constant 0 : i32
    %dma_start3A_18 = tpu.memref_slice %arg2[%dma_start3A_16, %dma_start3A_17] : memref<20480x64xf32, #tpu.memory_space<hbm>> -> memref<20480x64xf32, #tpu.memory_space<hbm>>
    tpu.enqueue_indirect_dma source(%dma_start3A_18 : memref<20480x64xf32, #tpu.memory_space<hbm>>) target(%arg10 : memref<128x64xf32, #tpu.memory_space<vmem>>) offsets(%dma_start3A_15 : memref<128xi32, #tpu.memory_space<vmem>>) semaphore(%arg15 : memref<!tpu.dma_semaphore, #tpu.memory_space<semaphore_mem>>)
    %dma_start3A_19 = arith.constant 2 : i32
    %dma_start3A_20 = arith.constant 0 : i32
    %dma_start3A_21 = tpu.memref_slice %arg7[%dma_start3A_19, %dma_start3A_20] : memref<160x128xi32, #tpu.memory_space<vmem>> -> memref<1x128xi32, #tpu.memory_space<vmem>>
    %dma_start3A_22 = tpu.memref_squeeze %dma_start3A_21 : memref<1x128xi32, #tpu.memory_space<vmem>> -> memref<128xi32, #tpu.memory_space<vmem>>
    %dma_start3A_23 = arith.constant 0 : i32
    %dma_start3A_24 = arith.constant 0 : i32
    %dma_start3A_25 = tpu.memref_slice %arg2[%dma_start3A_23, %dma_start3A_24] : memref<20480x64xf32, #tpu.memory_space<hbm>> -> memref<20480x64xf32, #tpu.memory_space<hbm>>
    tpu.enqueue_indirect_dma source(%dma_start3A_25 : memref<20480x64xf32, #tpu.memory_space<hbm>>) target(%arg11 : memref<128x64xf32, #tpu.memory_space<vmem>>) offsets(%dma_start3A_22 : memref<128xi32, #tpu.memory_space<vmem>>) semaphore(%arg15 : memref<!tpu.dma_semaphore, #tpu.memory_space<semaphore_mem>>)
    %dma_start3A_26 = arith.constant 3 : i32
    %dma_start3A_27 = arith.constant 0 : i32
    %dma_start3A_28 = tpu.memref_slice %arg7[%dma_start3A_26, %dma_start3A_27] : memref<160x128xi32, #tpu.memory_space<vmem>> -> memref<1x128xi32, #tpu.memory_space<vmem>>
    %dma_start3A_29 = tpu.memref_squeeze %dma_start3A_28 : memref<1x128xi32, #tpu.memory_space<vmem>> -> memref<128xi32, #tpu.memory_space<vmem>>
    %dma_start3A_30 = arith.constant 0 : i32
    %dma_start3A_31 = arith.constant 0 : i32
    %dma_start3A_32 = tpu.memref_slice %arg2[%dma_start3A_30, %dma_start3A_31] : memref<20480x64xf32, #tpu.memory_space<hbm>> -> memref<20480x64xf32, #tpu.memory_space<hbm>>
    tpu.enqueue_indirect_dma source(%dma_start3A_32 : memref<20480x64xf32, #tpu.memory_space<hbm>>) target(%arg12 : memref<128x64xf32, #tpu.memory_space<vmem>>) offsets(%dma_start3A_29 : memref<128xi32, #tpu.memory_space<vmem>>) semaphore(%arg15 : memref<!tpu.dma_semaphore, #tpu.memory_space<semaphore_mem>>)
    %scan3A_33 = arith.constant 0 : i32
    %scan3A_34 = arith.constant 0 : i32
    %scan3A_35 = arith.constant 40 : i32
    %scan3A_36 = arith.addi %scan3A_34, %scan3A_35 : i32
    %scan3A_37 = arith.constant 1 : i32
    scf.for %scan3A_43 = %scan3A_34 to %scan3A_36 step %scan3A_37  : i32 {
      %mul3A_44 = arith.constant 4 : i32
      %mul3A_45 = arith.muli %scan3A_43, %mul3A_44 : i32
      %add3A = arith.constant 0 : i32
      %add3A_46 = arith.addi %mul3A_45, %add3A : i32
      %dma_wait3A = arith.constant 0 : i32
      %dma_wait3A_47 = tpu.memref_slice %arg7[%add3A_46, %dma_wait3A] : memref<160x128xi32, #tpu.memory_space<vmem>> -> memref<1x128xi32, #tpu.memory_space<vmem>>
      %dma_wait3A_48 = tpu.memref_squeeze %dma_wait3A_47 : memref<1x128xi32, #tpu.memory_space<vmem>> -> memref<128xi32, #tpu.memory_space<vmem>>
      %dma_wait3A_49 = arith.constant 0 : i32
      %dma_wait3A_50 = arith.constant 0 : i32
      %dma_wait3A_51 = tpu.memref_slice %arg2[%dma_wait3A_49, %dma_wait3A_50] : memref<20480x64xf32, #tpu.memory_space<hbm>> -> memref<20480x64xf32, #tpu.memory_space<hbm>>
      tpu.wait_indirect_dma semaphore(%arg15 : memref<!tpu.dma_semaphore, #tpu.memory_space<semaphore_mem>>) src(%dma_wait3A_51 : memref<20480x64xf32, #tpu.memory_space<hbm>>) dst(%arg9 : memref<128x64xf32, #tpu.memory_space<vmem>>)
      %dma_start3A_52 = arith.constant 0 : i32
      %dma_start3A_53 = tpu.memref_slice %arg8[%add3A_46, %dma_start3A_52] : memref<160x128xi32, #tpu.memory_space<vmem>> -> memref<1x128xi32, #tpu.memory_space<vmem>>
      %dma_start3A_54 = tpu.memref_squeeze %dma_start3A_53 : memref<1x128xi32, #tpu.memory_space<vmem>> -> memref<128xi32, #tpu.memory_space<vmem>>
      %dma_start3A_55 = arith.constant 0 : i32
      %dma_start3A_56 = arith.constant 0 : i32
      %dma_start3A_57 = tpu.memref_slice %arg14[%dma_start3A_55, %dma_start3A_56] : memref<10240x64xf32, #tpu.memory_space<vmem_shared>> -> memref<10240x64xf32, #tpu.memory_space<vmem_shared>>
      tpu.enqueue_indirect_dma source(%arg9 : memref<128x64xf32, #tpu.memory_space<vmem>>) target(%dma_start3A_57 : memref<10240x64xf32, #tpu.memory_space<vmem_shared>>) offsets(%dma_start3A_54 : memref<128xi32, #tpu.memory_space<vmem>>) semaphore(%arg16 : memref<!tpu.dma_semaphore, #tpu.memory_space<semaphore_mem>>) {add = true}
      %dma_wait3A_58 = arith.constant 0 : i32
      %dma_wait3A_59 = tpu.memref_slice %arg8[%add3A_46, %dma_wait3A_58] : memref<160x128xi32, #tpu.memory_space<vmem>> -> memref<1x128xi32, #tpu.memory_space<vmem>>
      %dma_wait3A_60 = tpu.memref_squeeze %dma_wait3A_59 : memref<1x128xi32, #tpu.memory_space<vmem>> -> memref<128xi32, #tpu.memory_space<vmem>>
      %dma_wait3A_61 = arith.constant 0 : i32
      %dma_wait3A_62 = arith.constant 0 : i32
      %dma_wait3A_63 = tpu.memref_slice %arg14[%dma_wait3A_61, %dma_wait3A_62] : memref<10240x64xf32, #tpu.memory_space<vmem_shared>> -> memref<10240x64xf32, #tpu.memory_space<vmem_shared>>
      tpu.wait_indirect_dma semaphore(%arg16 : memref<!tpu.dma_semaphore, #tpu.memory_space<semaphore_mem>>) src(%arg9 : memref<128x64xf32, #tpu.memory_space<vmem>>) dst(%dma_wait3A_63 : memref<10240x64xf32, #tpu.memory_space<vmem_shared>>)
      %add3A_64 = arith.constant 4 : i32
      %add3A_65 = arith.addi %add3A_46, %add3A_64 : i32
      %lt3A = arith.constant 160 : i32
      %lt3A_66 = arith.cmpi slt, %add3A_65, %lt3A : i32
      %convert_element_type3A = arith.extui %lt3A_66 : i1 to i32
      %cond3A = arith.constant 0 : i32
      %cond3A_67 = arith.cmpi ne, %convert_element_type3A, %cond3A : i32
      scf.if %cond3A_67 {
        %dma_start3A_155 = arith.constant 0 : i32
        %dma_start3A_156 = tpu.memref_slice %arg7[%add3A_65, %dma_start3A_155] : memref<160x128xi32, #tpu.memory_space<vmem>> -> memref<1x128xi32, #tpu.memory_space<vmem>>
        %dma_start3A_157 = tpu.memref_squeeze %dma_start3A_156 : memref<1x128xi32, #tpu.memory_space<vmem>> -> memref<128xi32, #tpu.memory_space<vmem>>
        %dma_start3A_158 = arith.constant 0 : i32
        %dma_start3A_159 = arith.constant 0 : i32
        %dma_start3A_160 = tpu.memref_slice %arg2[%dma_start3A_158, %dma_start3A_159] : memref<20480x64xf32, #tpu.memory_space<hbm>> -> memref<20480x64xf32, #tpu.memory_space<hbm>>
        tpu.enqueue_indirect_dma source(%dma_start3A_160 : memref<20480x64xf32, #tpu.memory_space<hbm>>) target(%arg9 : memref<128x64xf32, #tpu.memory_space<vmem>>) offsets(%dma_start3A_157 : memref<128xi32, #tpu.memory_space<vmem>>) semaphore(%arg15 : memref<!tpu.dma_semaphore, #tpu.memory_space<semaphore_mem>>)
      } else {
      }
      %mul3A_68 = arith.constant 4 : i32
      %mul3A_69 = arith.muli %scan3A_43, %mul3A_68 : i32
      %add3A_70 = arith.constant 1 : i32
      %add3A_71 = arith.addi %mul3A_69, %add3A_70 : i32
      %dma_wait3A_72 = arith.constant 0 : i32
      %dma_wait3A_73 = tpu.memref_slice %arg7[%add3A_71, %dma_wait3A_72] : memref<160x128xi32, #tpu.memory_space<vmem>> -> memref<1x128xi32, #tpu.memory_space<vmem>>
      %dma_wait3A_74 = tpu.memref_squeeze %dma_wait3A_73 : memref<1x128xi32, #tpu.memory_space<vmem>> -> memref<128xi32, #tpu.memory_space<vmem>>
      %dma_wait3A_75 = arith.constant 0 : i32
      %dma_wait3A_76 = arith.constant 0 : i32
      %dma_wait3A_77 = tpu.memref_slice %arg2[%dma_wait3A_75, %dma_wait3A_76] : memref<20480x64xf32, #tpu.memory_space<hbm>> -> memref<20480x64xf32, #tpu.memory_space<hbm>>
      tpu.wait_indirect_dma semaphore(%arg15 : memref<!tpu.dma_semaphore, #tpu.memory_space<semaphore_mem>>) src(%dma_wait3A_77 : memref<20480x64xf32, #tpu.memory_space<hbm>>) dst(%arg10 : memref<128x64xf32, #tpu.memory_space<vmem>>)
      %dma_start3A_78 = arith.constant 0 : i32
      %dma_start3A_79 = tpu.memref_slice %arg8[%add3A_71, %dma_start3A_78] : memref<160x128xi32, #tpu.memory_space<vmem>> -> memref<1x128xi32, #tpu.memory_space<vmem>>
      %dma_start3A_80 = tpu.memref_squeeze %dma_start3A_79 : memref<1x128xi32, #tpu.memory_space<vmem>> -> memref<128xi32, #tpu.memory_space<vmem>>
      %dma_start3A_81 = arith.constant 0 : i32
      %dma_start3A_82 = arith.constant 0 : i32
      %dma_start3A_83 = tpu.memref_slice %arg14[%dma_start3A_81, %dma_start3A_82] : memref<10240x64xf32, #tpu.memory_space<vmem_shared>> -> memref<10240x64xf32, #tpu.memory_space<vmem_shared>>
      tpu.enqueue_indirect_dma source(%arg10 : memref<128x64xf32, #tpu.memory_space<vmem>>) target(%dma_start3A_83 : memref<10240x64xf32, #tpu.memory_space<vmem_shared>>) offsets(%dma_start3A_80 : memref<128xi32, #tpu.memory_space<vmem>>) semaphore(%arg16 : memref<!tpu.dma_semaphore, #tpu.memory_space<semaphore_mem>>) {add = true}
      %dma_wait3A_84 = arith.constant 0 : i32
      %dma_wait3A_85 = tpu.memref_slice %arg8[%add3A_71, %dma_wait3A_84] : memref<160x128xi32, #tpu.memory_space<vmem>> -> memref<1x128xi32, #tpu.memory_space<vmem>>
      %dma_wait3A_86 = tpu.memref_squeeze %dma_wait3A_85 : memref<1x128xi32, #tpu.memory_space<vmem>> -> memref<128xi32, #tpu.memory_space<vmem>>
      %dma_wait3A_87 = arith.constant 0 : i32
      %dma_wait3A_88 = arith.constant 0 : i32
      %dma_wait3A_89 = tpu.memref_slice %arg14[%dma_wait3A_87, %dma_wait3A_88] : memref<10240x64xf32, #tpu.memory_space<vmem_shared>> -> memref<10240x64xf32, #tpu.memory_space<vmem_shared>>
      tpu.wait_indirect_dma semaphore(%arg16 : memref<!tpu.dma_semaphore, #tpu.memory_space<semaphore_mem>>) src(%arg10 : memref<128x64xf32, #tpu.memory_space<vmem>>) dst(%dma_wait3A_89 : memref<10240x64xf32, #tpu.memory_space<vmem_shared>>)
      %add3A_90 = arith.constant 4 : i32
      %add3A_91 = arith.addi %add3A_71, %add3A_90 : i32
      %lt3A_92 = arith.constant 160 : i32
      %lt3A_93 = arith.cmpi slt, %add3A_91, %lt3A_92 : i32
      %convert_element_type3A_94 = arith.extui %lt3A_93 : i1 to i32
      %cond3A_95 = arith.constant 0 : i32
      %cond3A_96 = arith.cmpi ne, %convert_element_type3A_94, %cond3A_95 : i32
      scf.if %cond3A_96 {
        %dma_start3A_155 = arith.constant 0 : i32
        %dma_start3A_156 = tpu.memref_slice %arg7[%add3A_91, %dma_start3A_155] : memref<160x128xi32, #tpu.memory_space<vmem>> -> memref<1x128xi32, #tpu.memory_space<vmem>>
        %dma_start3A_157 = tpu.memref_squeeze %dma_start3A_156 : memref<1x128xi32, #tpu.memory_space<vmem>> -> memref<128xi32, #tpu.memory_space<vmem>>
        %dma_start3A_158 = arith.constant 0 : i32
        %dma_start3A_159 = arith.constant 0 : i32
        %dma_start3A_160 = tpu.memref_slice %arg2[%dma_start3A_158, %dma_start3A_159] : memref<20480x64xf32, #tpu.memory_space<hbm>> -> memref<20480x64xf32, #tpu.memory_space<hbm>>
        tpu.enqueue_indirect_dma source(%dma_start3A_160 : memref<20480x64xf32, #tpu.memory_space<hbm>>) target(%arg10 : memref<128x64xf32, #tpu.memory_space<vmem>>) offsets(%dma_start3A_157 : memref<128xi32, #tpu.memory_space<vmem>>) semaphore(%arg15 : memref<!tpu.dma_semaphore, #tpu.memory_space<semaphore_mem>>)
      } else {
      }
      %mul3A_97 = arith.constant 4 : i32
      %mul3A_98 = arith.muli %scan3A_43, %mul3A_97 : i32
      %add3A_99 = arith.constant 2 : i32
      %add3A_100 = arith.addi %mul3A_98, %add3A_99 : i32
      %dma_wait3A_101 = arith.constant 0 : i32
      %dma_wait3A_102 = tpu.memref_slice %arg7[%add3A_100, %dma_wait3A_101] : memref<160x128xi32, #tpu.memory_space<vmem>> -> memref<1x128xi32, #tpu.memory_space<vmem>>
      %dma_wait3A_103 = tpu.memref_squeeze %dma_wait3A_102 : memref<1x128xi32, #tpu.memory_space<vmem>> -> memref<128xi32, #tpu.memory_space<vmem>>
      %dma_wait3A_104 = arith.constant 0 : i32
      %dma_wait3A_105 = arith.constant 0 : i32
      %dma_wait3A_106 = tpu.memref_slice %arg2[%dma_wait3A_104, %dma_wait3A_105] : memref<20480x64xf32, #tpu.memory_space<hbm>> -> memref<20480x64xf32, #tpu.memory_space<hbm>>
      tpu.wait_indirect_dma semaphore(%arg15 : memref<!tpu.dma_semaphore, #tpu.memory_space<semaphore_mem>>) src(%dma_wait3A_106 : memref<20480x64xf32, #tpu.memory_space<hbm>>) dst(%arg11 : memref<128x64xf32, #tpu.memory_space<vmem>>)
      %dma_start3A_107 = arith.constant 0 : i32
      %dma_start3A_108 = tpu.memref_slice %arg8[%add3A_100, %dma_start3A_107] : memref<160x128xi32, #tpu.memory_space<vmem>> -> memref<1x128xi32, #tpu.memory_space<vmem>>
      %dma_start3A_109 = tpu.memref_squeeze %dma_start3A_108 : memref<1x128xi32, #tpu.memory_space<vmem>> -> memref<128xi32, #tpu.memory_space<vmem>>
      %dma_start3A_110 = arith.constant 0 : i32
      %dma_start3A_111 = arith.constant 0 : i32
      %dma_start3A_112 = tpu.memref_slice %arg14[%dma_start3A_110, %dma_start3A_111] : memref<10240x64xf32, #tpu.memory_space<vmem_shared>> -> memref<10240x64xf32, #tpu.memory_space<vmem_shared>>
      tpu.enqueue_indirect_dma source(%arg11 : memref<128x64xf32, #tpu.memory_space<vmem>>) target(%dma_start3A_112 : memref<10240x64xf32, #tpu.memory_space<vmem_shared>>) offsets(%dma_start3A_109 : memref<128xi32, #tpu.memory_space<vmem>>) semaphore(%arg16 : memref<!tpu.dma_semaphore, #tpu.memory_space<semaphore_mem>>) {add = true}
      %dma_wait3A_113 = arith.constant 0 : i32
      %dma_wait3A_114 = tpu.memref_slice %arg8[%add3A_100, %dma_wait3A_113] : memref<160x128xi32, #tpu.memory_space<vmem>> -> memref<1x128xi32, #tpu.memory_space<vmem>>
      %dma_wait3A_115 = tpu.memref_squeeze %dma_wait3A_114 : memref<1x128xi32, #tpu.memory_space<vmem>> -> memref<128xi32, #tpu.memory_space<vmem>>
      %dma_wait3A_116 = arith.constant 0 : i32
      %dma_wait3A_117 = arith.constant 0 : i32
      %dma_wait3A_118 = tpu.memref_slice %arg14[%dma_wait3A_116, %dma_wait3A_117] : memref<10240x64xf32, #tpu.memory_space<vmem_shared>> -> memref<10240x64xf32, #tpu.memory_space<vmem_shared>>
      tpu.wait_indirect_dma semaphore(%arg16 : memref<!tpu.dma_semaphore, #tpu.memory_space<semaphore_mem>>) src(%arg11 : memref<128x64xf32, #tpu.memory_space<vmem>>) dst(%dma_wait3A_118 : memref<10240x64xf32, #tpu.memory_space<vmem_shared>>)
      %add3A_119 = arith.constant 4 : i32
      %add3A_120 = arith.addi %add3A_100, %add3A_119 : i32
      %lt3A_121 = arith.constant 160 : i32
      %lt3A_122 = arith.cmpi slt, %add3A_120, %lt3A_121 : i32
      %convert_element_type3A_123 = arith.extui %lt3A_122 : i1 to i32
      %cond3A_124 = arith.constant 0 : i32
      %cond3A_125 = arith.cmpi ne, %convert_element_type3A_123, %cond3A_124 : i32
      scf.if %cond3A_125 {
        %dma_start3A_155 = arith.constant 0 : i32
        %dma_start3A_156 = tpu.memref_slice %arg7[%add3A_120, %dma_start3A_155] : memref<160x128xi32, #tpu.memory_space<vmem>> -> memref<1x128xi32, #tpu.memory_space<vmem>>
        %dma_start3A_157 = tpu.memref_squeeze %dma_start3A_156 : memref<1x128xi32, #tpu.memory_space<vmem>> -> memref<128xi32, #tpu.memory_space<vmem>>
        %dma_start3A_158 = arith.constant 0 : i32
        %dma_start3A_159 = arith.constant 0 : i32
        %dma_start3A_160 = tpu.memref_slice %arg2[%dma_start3A_158, %dma_start3A_159] : memref<20480x64xf32, #tpu.memory_space<hbm>> -> memref<20480x64xf32, #tpu.memory_space<hbm>>
        tpu.enqueue_indirect_dma source(%dma_start3A_160 : memref<20480x64xf32, #tpu.memory_space<hbm>>) target(%arg11 : memref<128x64xf32, #tpu.memory_space<vmem>>) offsets(%dma_start3A_157 : memref<128xi32, #tpu.memory_space<vmem>>) semaphore(%arg15 : memref<!tpu.dma_semaphore, #tpu.memory_space<semaphore_mem>>)
      } else {
      }
      %mul3A_126 = arith.constant 4 : i32
      %mul3A_127 = arith.muli %scan3A_43, %mul3A_126 : i32
      %add3A_128 = arith.constant 3 : i32
      %add3A_129 = arith.addi %mul3A_127, %add3A_128 : i32
      %dma_wait3A_130 = arith.constant 0 : i32
      %dma_wait3A_131 = tpu.memref_slice %arg7[%add3A_129, %dma_wait3A_130] : memref<160x128xi32, #tpu.memory_space<vmem>> -> memref<1x128xi32, #tpu.memory_space<vmem>>
      %dma_wait3A_132 = tpu.memref_squeeze %dma_wait3A_131 : memref<1x128xi32, #tpu.memory_space<vmem>> -> memref<128xi32, #tpu.memory_space<vmem>>
      %dma_wait3A_133 = arith.constant 0 : i32
      %dma_wait3A_134 = arith.constant 0 : i32
      %dma_wait3A_135 = tpu.memref_slice %arg2[%dma_wait3A_133, %dma_wait3A_134] : memref<20480x64xf32, #tpu.memory_space<hbm>> -> memref<20480x64xf32, #tpu.memory_space<hbm>>
      tpu.wait_indirect_dma semaphore(%arg15 : memref<!tpu.dma_semaphore, #tpu.memory_space<semaphore_mem>>) src(%dma_wait3A_135 : memref<20480x64xf32, #tpu.memory_space<hbm>>) dst(%arg12 : memref<128x64xf32, #tpu.memory_space<vmem>>)
      %dma_start3A_136 = arith.constant 0 : i32
      %dma_start3A_137 = tpu.memref_slice %arg8[%add3A_129, %dma_start3A_136] : memref<160x128xi32, #tpu.memory_space<vmem>> -> memref<1x128xi32, #tpu.memory_space<vmem>>
      %dma_start3A_138 = tpu.memref_squeeze %dma_start3A_137 : memref<1x128xi32, #tpu.memory_space<vmem>> -> memref<128xi32, #tpu.memory_space<vmem>>
      %dma_start3A_139 = arith.constant 0 : i32
      %dma_start3A_140 = arith.constant 0 : i32
      %dma_start3A_141 = tpu.memref_slice %arg14[%dma_start3A_139, %dma_start3A_140] : memref<10240x64xf32, #tpu.memory_space<vmem_shared>> -> memref<10240x64xf32, #tpu.memory_space<vmem_shared>>
      tpu.enqueue_indirect_dma source(%arg12 : memref<128x64xf32, #tpu.memory_space<vmem>>) target(%dma_start3A_141 : memref<10240x64xf32, #tpu.memory_space<vmem_shared>>) offsets(%dma_start3A_138 : memref<128xi32, #tpu.memory_space<vmem>>) semaphore(%arg16 : memref<!tpu.dma_semaphore, #tpu.memory_space<semaphore_mem>>) {add = true}
      %dma_wait3A_142 = arith.constant 0 : i32
      %dma_wait3A_143 = tpu.memref_slice %arg8[%add3A_129, %dma_wait3A_142] : memref<160x128xi32, #tpu.memory_space<vmem>> -> memref<1x128xi32, #tpu.memory_space<vmem>>
      %dma_wait3A_144 = tpu.memref_squeeze %dma_wait3A_143 : memref<1x128xi32, #tpu.memory_space<vmem>> -> memref<128xi32, #tpu.memory_space<vmem>>
      %dma_wait3A_145 = arith.constant 0 : i32
      %dma_wait3A_146 = arith.constant 0 : i32
      %dma_wait3A_147 = tpu.memref_slice %arg14[%dma_wait3A_145, %dma_wait3A_146] : memref<10240x64xf32, #tpu.memory_space<vmem_shared>> -> memref<10240x64xf32, #tpu.memory_space<vmem_shared>>
      tpu.wait_indirect_dma semaphore(%arg16 : memref<!tpu.dma_semaphore, #tpu.memory_space<semaphore_mem>>) src(%arg12 : memref<128x64xf32, #tpu.memory_space<vmem>>) dst(%dma_wait3A_147 : memref<10240x64xf32, #tpu.memory_space<vmem_shared>>)
      %add3A_148 = arith.constant 4 : i32
      %add3A_149 = arith.addi %add3A_129, %add3A_148 : i32
      %lt3A_150 = arith.constant 160 : i32
      %lt3A_151 = arith.cmpi slt, %add3A_149, %lt3A_150 : i32
      %convert_element_type3A_152 = arith.extui %lt3A_151 : i1 to i32
      %cond3A_153 = arith.constant 0 : i32
      %cond3A_154 = arith.cmpi ne, %convert_element_type3A_152, %cond3A_153 : i32
      scf.if %cond3A_154 {
        %dma_start3A_155 = arith.constant 0 : i32
        %dma_start3A_156 = tpu.memref_slice %arg7[%add3A_149, %dma_start3A_155] : memref<160x128xi32, #tpu.memory_space<vmem>> -> memref<1x128xi32, #tpu.memory_space<vmem>>
        %dma_start3A_157 = tpu.memref_squeeze %dma_start3A_156 : memref<1x128xi32, #tpu.memory_space<vmem>> -> memref<128xi32, #tpu.memory_space<vmem>>
        %dma_start3A_158 = arith.constant 0 : i32
        %dma_start3A_159 = arith.constant 0 : i32
        %dma_start3A_160 = tpu.memref_slice %arg2[%dma_start3A_158, %dma_start3A_159] : memref<20480x64xf32, #tpu.memory_space<hbm>> -> memref<20480x64xf32, #tpu.memory_space<hbm>>
        tpu.enqueue_indirect_dma source(%dma_start3A_160 : memref<20480x64xf32, #tpu.memory_space<hbm>>) target(%arg12 : memref<128x64xf32, #tpu.memory_space<vmem>>) offsets(%dma_start3A_157 : memref<128xi32, #tpu.memory_space<vmem>>) semaphore(%arg15 : memref<!tpu.dma_semaphore, #tpu.memory_space<semaphore_mem>>)
      } else {
      }
    }
    %scan3A_38 = arith.constant 40 : i32
    %barrier3A_39 = arith.constant 0 : index
    tpu.barrier barrier_id(%barrier3A_39)
    %mul3A = arith.constant 640 : i32
    %mul3A_40 = arith.muli %arg1, %mul3A : i32
    %mul3A_41 = arith.constant 640 : i32
    %mul3A_42 = arith.muli %arg1, %mul3A_41 : i32
    "tpu.region"() ({
      %run_scoped3A = tpu.sem_alloc : memref<!tpu.dma_semaphore, #tpu.memory_space<semaphore_mem>>
      %dma_start3A_43 = arith.constant 0 : i32
      %dma_start3A_44 = tpu.memref_slice %arg6[%arg0, %mul3A_42, %dma_start3A_43] : memref<2x10240x64xf32, #tpu.memory_space<hbm>> -> memref<1x640x64xf32, #tpu.memory_space<hbm>>
      %dma_start3A_45 = tpu.memref_squeeze %dma_start3A_44 : memref<1x640x64xf32, #tpu.memory_space<hbm>> -> memref<640x64xf32, #tpu.memory_space<hbm>>
      %dma_start3A_46 = arith.constant 0 : i32
      %dma_start3A_47 = tpu.memref_slice %arg14[%mul3A_40, %dma_start3A_46] : memref<10240x64xf32, #tpu.memory_space<vmem_shared>> -> memref<640x64xf32, #tpu.memory_space<vmem_shared>>
      tpu.enqueue_dma source(%dma_start3A_47 : memref<640x64xf32, #tpu.memory_space<vmem_shared>>) target(%dma_start3A_45 : memref<640x64xf32, #tpu.memory_space<hbm>>) target_semaphore(%run_scoped3A : memref<!tpu.dma_semaphore, #tpu.memory_space<semaphore_mem>>)
      %dma_wait3A = arith.constant 0 : i32
      %dma_wait3A_48 = tpu.memref_slice %arg6[%arg0, %mul3A_42, %dma_wait3A] : memref<2x10240x64xf32, #tpu.memory_space<hbm>> -> memref<1x640x64xf32, #tpu.memory_space<hbm>>
      %dma_wait3A_49 = tpu.memref_squeeze %dma_wait3A_48 : memref<1x640x64xf32, #tpu.memory_space<hbm>> -> memref<640x64xf32, #tpu.memory_space<hbm>>
      %dma_wait3A_50 = arith.constant 0 : i32
      %dma_wait3A_51 = tpu.memref_slice %arg14[%mul3A_40, %dma_wait3A_50] : memref<10240x64xf32, #tpu.memory_space<vmem_shared>> -> memref<640x64xf32, #tpu.memory_space<vmem_shared>>
      tpu.wait_dma2 semaphore(%run_scoped3A : memref<!tpu.dma_semaphore, #tpu.memory_space<semaphore_mem>>) src(%dma_wait3A_51 : memref<640x64xf32, #tpu.memory_space<vmem_shared>>) dst(%dma_wait3A_49 : memref<640x64xf32, #tpu.memory_space<hbm>>)
      tpu.yield
    }) : () -> ()
    return
  }
}

module attributes {stable_mosaic.version = 14 : i64} {
  func.func @_tc0_body(%arg0: i32, %arg1: memref<1024x128xf32, #tpu.memory_space<vmem>>, %arg2: memref<1024x64xf32, #tpu.memory_space<vmem>>, %arg3: memref<1024x64xf32, #tpu.memory_space<vmem>>, %arg4: memref<16x1024xf32, #tpu.memory_space<vmem>>, %arg5: memref<128x128xf32, #tpu.memory_space<vmem>>, %arg6: memref<128x128xf32, #tpu.memory_space<vmem>>, %arg7: memref<1x128xf32, #tpu.memory_space<vmem>>, %arg8: memref<1024x128xf32, #tpu.memory_space<vmem>>) attributes {dimension_semantics = [#tpu.dimension_semantics<arbitrary>], iteration_bounds = array<i64: 10>, scalar_prefetch = 0 : i64, scratch_operands = 0 : i64, tpu.core_type = #tpu.core_type<tc>, window_params = [{transform_indices = @transform_0, window_bounds = array<i64: 1024, 128>}, {transform_indices = @transform_1, window_bounds = array<i64: 1024, 64>}, {transform_indices = @transform_2, window_bounds = array<i64: 1024, 64>}, {transform_indices = @transform_3, window_bounds = array<i64: 16, 1024>}, {pipeline_mode = #tpu.pipeline_mode<synchronous>, transform_indices = @transform_4, window_bounds = array<i64: 128, 128>}, {pipeline_mode = #tpu.pipeline_mode<synchronous>, transform_indices = @transform_5, window_bounds = array<i64: 128, 128>}, {pipeline_mode = #tpu.pipeline_mode<synchronous>, transform_indices = @transform_6, window_bounds = array<i64: 1, 128>}, {transform_indices = @transform_7, window_bounds = array<i64: 1024, 128>}]} {
    %get3A = arith.constant 0 : index
    %get3A_0 = arith.constant 0 : index
    %get3A_1 = vector.load %arg4[%get3A, %get3A_0] : memref<16x1024xf32, #tpu.memory_space<vmem>>, vector<16x1024xf32>
    %reduce_sum3A = arith.constant dense<0.000000e+00> : vector<1024xf32>
    %reduce_sum3A_2 = vector.multi_reduction <add>, %get3A_1, %reduce_sum3A [0] : vector<16x1024xf32> to vector<1024xf32>
    %max3A = arith.constant 1.000000e+00 : f32
    %max3A_3 = vector.broadcast %max3A : f32 to vector<1024xf32>
    %max3A_4 = arith.maximumf %reduce_sum3A_2, %max3A_3 : vector<1024xf32>
    %get3A_5 = arith.constant 0 : index
    %get3A_6 = arith.constant 0 : index
    %get3A_7 = vector.load %arg2[%get3A_5, %get3A_6] : memref<1024x64xf32, #tpu.memory_space<vmem>>, vector<1024x64xf32>
    %get3A_8 = arith.constant 0 : index
    %get3A_9 = arith.constant 0 : index
    %get3A_10 = vector.load %arg3[%get3A_8, %get3A_9] : memref<1024x64xf32, #tpu.memory_space<vmem>>, vector<1024x64xf32>
    %concatenate3A = tpu.concatenate %get3A_7, %get3A_10 in 1 : vector<1024x64xf32>, vector<1024x64xf32> -> vector<1024x128xf32>
    %broadcast_in_dim3A = vector.shape_cast %max3A_4 : vector<1024xf32> to vector<1024x1xf32>
    %div3A = vector.broadcast %broadcast_in_dim3A : vector<1024x1xf32> to vector<1024x128xf32>
    %div3A_11 = arith.divf %concatenate3A, %div3A : vector<1024x128xf32>
    %get3A_12 = arith.constant 0 : index
    %get3A_13 = arith.constant 0 : index
    %get3A_14 = vector.load %arg1[%get3A_12, %get3A_13] : memref<1024x128xf32, #tpu.memory_space<vmem>>, vector<1024x128xf32>
    %get3A_15 = arith.constant 0 : index
    %get3A_16 = arith.constant 0 : index
    %get3A_17 = vector.load %arg5[%get3A_15, %get3A_16] : memref<128x128xf32, #tpu.memory_space<vmem>>, vector<128x128xf32>
    %dot_general3A = arith.constant dense<0.000000e+00> : vector<1024x128xf32>
    %dot_general3A_18 = tpu.matmul %get3A_14, %get3A_17, %dot_general3A {dimension_numbers = #tpu.dot_dimension_numbers<[1], [0], [0], [1], [0, 0, 1, 1], [], []>, transpose_lhs_hint = false} : vector<1024x128xf32>, vector<128x128xf32>, vector<1024x128xf32> -> vector<1024x128xf32>
    %get3A_19 = arith.constant 0 : index
    %get3A_20 = arith.constant 0 : index
    %get3A_21 = vector.load %arg6[%get3A_19, %get3A_20] : memref<128x128xf32, #tpu.memory_space<vmem>>, vector<128x128xf32>
    %dot_general3A_22 = arith.constant dense<0.000000e+00> : vector<1024x128xf32>
    %dot_general3A_23 = tpu.matmul %div3A_11, %get3A_21, %dot_general3A_22 {dimension_numbers = #tpu.dot_dimension_numbers<[1], [0], [0], [1], [0, 0, 1, 1], [], []>, transpose_lhs_hint = false} : vector<1024x128xf32>, vector<128x128xf32>, vector<1024x128xf32> -> vector<1024x128xf32>
    %add3A = arith.addf %dot_general3A_18, %dot_general3A_23 : vector<1024x128xf32>
    %get3A_24 = arith.constant 0 : index
    %get3A_25 = arith.constant 0 : index
    %get3A_26 = vector.load %arg7[%get3A_24, %get3A_25] : memref<1x128xf32, #tpu.memory_space<vmem>>, vector<1x128xf32>
    %add3A_27 = vector.broadcast %get3A_26 : vector<1x128xf32> to vector<1024x128xf32>
    %add3A_28 = arith.addf %add3A, %add3A_27 : vector<1024x128xf32>
    %max3A_29 = arith.constant 0.000000e+00 : f32
    %max3A_30 = vector.broadcast %max3A_29 : f32 to vector<1024x128xf32>
    %max3A_31 = arith.maximumf %add3A_28, %max3A_30 : vector<1024x128xf32>
    %swap3A = arith.constant 0 : index
    %swap3A_32 = arith.constant 0 : index
    %swap3A_33 = vector.load %arg8[%swap3A, %swap3A_32] : memref<1024x128xf32, #tpu.memory_space<vmem>>, vector<1024x128xf32>
    tpu.vector_store %arg8[%swap3A, %swap3A_32], %max3A_31 {strides = array<i32>} : memref<1024x128xf32, #tpu.memory_space<vmem>>, vector<1024x128xf32>,
    return
  }
  func.func @transform_0(%arg0: i32) -> (i32, i32) {
    %c0_i32 = arith.constant 0 : i32
    %c0_i32_0 = arith.constant 0 : i32
    return %arg0, %c0_i32 : i32, i32
  }
  func.func @transform_1(%arg0: i32) -> (i32, i32) {
    %c0_i32 = arith.constant 0 : i32
    %c0_i32_0 = arith.constant 0 : i32
    return %arg0, %c0_i32 : i32, i32
  }
  func.func @transform_2(%arg0: i32) -> (i32, i32) {
    %c0_i32 = arith.constant 0 : i32
    %c0_i32_0 = arith.constant 0 : i32
    return %arg0, %c0_i32 : i32, i32
  }
  func.func @transform_3(%arg0: i32) -> (i32, i32) {
    %c0_i32 = arith.constant 0 : i32
    %c0_i32_0 = arith.constant 0 : i32
    return %c0_i32, %arg0 : i32, i32
  }
  func.func @transform_4(%arg0: i32) -> (i32, i32) {
    %c0_i32 = arith.constant 0 : i32
    %c0_i32_0 = arith.constant 0 : i32
    %c0_i32_1 = arith.constant 0 : i32
    return %c0_i32, %c0_i32_0 : i32, i32
  }
  func.func @transform_5(%arg0: i32) -> (i32, i32) {
    %c0_i32 = arith.constant 0 : i32
    %c0_i32_0 = arith.constant 0 : i32
    %c0_i32_1 = arith.constant 0 : i32
    return %c0_i32, %c0_i32_0 : i32, i32
  }
  func.func @transform_6(%arg0: i32) -> (i32, i32) {
    %c0_i32 = arith.constant 0 : i32
    %c0_i32_0 = arith.constant 0 : i32
    %c0_i32_1 = arith.constant 0 : i32
    return %c0_i32, %c0_i32_0 : i32, i32
  }
  func.func @transform_7(%arg0: i32) -> (i32, i32) {
    %c0_i32 = arith.constant 0 : i32
    %c0_i32_0 = arith.constant 0 : i32
    return %arg0, %c0_i32 : i32, i32
  }
}

module attributes {stable_mosaic.version = 14 : i64} {
  func.func @_tc1_body(%arg0: i32, %arg1: memref<1024x128xf32, #tpu.memory_space<vmem>>, %arg2: memref<1024x64xf32, #tpu.memory_space<vmem>>, %arg3: memref<1024x64xf32, #tpu.memory_space<vmem>>, %arg4: memref<16x1024xf32, #tpu.memory_space<vmem>>, %arg5: memref<128x128xf32, #tpu.memory_space<vmem>>, %arg6: memref<128x128xf32, #tpu.memory_space<vmem>>, %arg7: memref<1x128xf32, #tpu.memory_space<vmem>>, %arg8: memref<128x128xf32, #tpu.memory_space<vmem>>, %arg9: memref<1x128xf32, #tpu.memory_space<vmem>>, %arg10: memref<1024x128xf32, #tpu.memory_space<vmem>>) attributes {dimension_semantics = [#tpu.dimension_semantics<arbitrary>], iteration_bounds = array<i64: 10>, scalar_prefetch = 0 : i64, scratch_operands = 0 : i64, tpu.core_type = #tpu.core_type<tc>, window_params = [{transform_indices = @transform_0, window_bounds = array<i64: 1024, 128>}, {transform_indices = @transform_1, window_bounds = array<i64: 1024, 64>}, {transform_indices = @transform_2, window_bounds = array<i64: 1024, 64>}, {transform_indices = @transform_3, window_bounds = array<i64: 16, 1024>}, {pipeline_mode = #tpu.pipeline_mode<synchronous>, transform_indices = @transform_4, window_bounds = array<i64: 128, 128>}, {pipeline_mode = #tpu.pipeline_mode<synchronous>, transform_indices = @transform_5, window_bounds = array<i64: 128, 128>}, {pipeline_mode = #tpu.pipeline_mode<synchronous>, transform_indices = @transform_6, window_bounds = array<i64: 1, 128>}, {pipeline_mode = #tpu.pipeline_mode<synchronous>, transform_indices = @transform_7, window_bounds = array<i64: 128, 128>}, {pipeline_mode = #tpu.pipeline_mode<synchronous>, transform_indices = @transform_8, window_bounds = array<i64: 1, 128>}, {transform_indices = @transform_9, window_bounds = array<i64: 1024, 128>}]} {
    %get3A = arith.constant 0 : index
    %get3A_0 = arith.constant 0 : index
    %get3A_1 = vector.load %arg4[%get3A, %get3A_0] : memref<16x1024xf32, #tpu.memory_space<vmem>>, vector<16x1024xf32>
    %reduce_sum3A = arith.constant dense<0.000000e+00> : vector<1024xf32>
    %reduce_sum3A_2 = vector.multi_reduction <add>, %get3A_1, %reduce_sum3A [0] : vector<16x1024xf32> to vector<1024xf32>
    %max3A = arith.constant 1.000000e+00 : f32
    %max3A_3 = vector.broadcast %max3A : f32 to vector<1024xf32>
    %max3A_4 = arith.maximumf %reduce_sum3A_2, %max3A_3 : vector<1024xf32>
    %get3A_5 = arith.constant 0 : index
    %get3A_6 = arith.constant 0 : index
    %get3A_7 = vector.load %arg2[%get3A_5, %get3A_6] : memref<1024x64xf32, #tpu.memory_space<vmem>>, vector<1024x64xf32>
    %get3A_8 = arith.constant 0 : index
    %get3A_9 = arith.constant 0 : index
    %get3A_10 = vector.load %arg3[%get3A_8, %get3A_9] : memref<1024x64xf32, #tpu.memory_space<vmem>>, vector<1024x64xf32>
    %concatenate3A = tpu.concatenate %get3A_7, %get3A_10 in 1 : vector<1024x64xf32>, vector<1024x64xf32> -> vector<1024x128xf32>
    %broadcast_in_dim3A = vector.shape_cast %max3A_4 : vector<1024xf32> to vector<1024x1xf32>
    %div3A = vector.broadcast %broadcast_in_dim3A : vector<1024x1xf32> to vector<1024x128xf32>
    %div3A_11 = arith.divf %concatenate3A, %div3A : vector<1024x128xf32>
    %get3A_12 = arith.constant 0 : index
    %get3A_13 = arith.constant 0 : index
    %get3A_14 = vector.load %arg1[%get3A_12, %get3A_13] : memref<1024x128xf32, #tpu.memory_space<vmem>>, vector<1024x128xf32>
    %get3A_15 = arith.constant 0 : index
    %get3A_16 = arith.constant 0 : index
    %get3A_17 = vector.load %arg5[%get3A_15, %get3A_16] : memref<128x128xf32, #tpu.memory_space<vmem>>, vector<128x128xf32>
    %dot_general3A = arith.constant dense<0.000000e+00> : vector<1024x128xf32>
    %dot_general3A_18 = tpu.matmul %get3A_14, %get3A_17, %dot_general3A {dimension_numbers = #tpu.dot_dimension_numbers<[1], [0], [0], [1], [0, 0, 1, 1], [], []>, transpose_lhs_hint = false} : vector<1024x128xf32>, vector<128x128xf32>, vector<1024x128xf32> -> vector<1024x128xf32>
    %get3A_19 = arith.constant 0 : index
    %get3A_20 = arith.constant 0 : index
    %get3A_21 = vector.load %arg6[%get3A_19, %get3A_20] : memref<128x128xf32, #tpu.memory_space<vmem>>, vector<128x128xf32>
    %dot_general3A_22 = arith.constant dense<0.000000e+00> : vector<1024x128xf32>
    %dot_general3A_23 = tpu.matmul %div3A_11, %get3A_21, %dot_general3A_22 {dimension_numbers = #tpu.dot_dimension_numbers<[1], [0], [0], [1], [0, 0, 1, 1], [], []>, transpose_lhs_hint = false} : vector<1024x128xf32>, vector<128x128xf32>, vector<1024x128xf32> -> vector<1024x128xf32>
    %add3A = arith.addf %dot_general3A_18, %dot_general3A_23 : vector<1024x128xf32>
    %get3A_24 = arith.constant 0 : index
    %get3A_25 = arith.constant 0 : index
    %get3A_26 = vector.load %arg7[%get3A_24, %get3A_25] : memref<1x128xf32, #tpu.memory_space<vmem>>, vector<1x128xf32>
    %add3A_27 = vector.broadcast %get3A_26 : vector<1x128xf32> to vector<1024x128xf32>
    %add3A_28 = arith.addf %add3A, %add3A_27 : vector<1024x128xf32>
    %max3A_29 = arith.constant 0.000000e+00 : f32
    %max3A_30 = vector.broadcast %max3A_29 : f32 to vector<1024x128xf32>
    %max3A_31 = arith.maximumf %add3A_28, %max3A_30 : vector<1024x128xf32>
    %get3A_32 = arith.constant 0 : index
    %get3A_33 = arith.constant 0 : index
    %get3A_34 = vector.load %arg8[%get3A_32, %get3A_33] : memref<128x128xf32, #tpu.memory_space<vmem>>, vector<128x128xf32>
    %dot_general3A_35 = arith.constant dense<0.000000e+00> : vector<1024x128xf32>
    %dot_general3A_36 = tpu.matmul %max3A_31, %get3A_34, %dot_general3A_35 {dimension_numbers = #tpu.dot_dimension_numbers<[1], [0], [0], [1], [0, 0, 1, 1], [], []>, transpose_lhs_hint = false} : vector<1024x128xf32>, vector<128x128xf32>, vector<1024x128xf32> -> vector<1024x128xf32>
    %get3A_37 = arith.constant 0 : index
    %get3A_38 = arith.constant 0 : index
    %get3A_39 = vector.load %arg9[%get3A_37, %get3A_38] : memref<1x128xf32, #tpu.memory_space<vmem>>, vector<1x128xf32>
    %add3A_40 = vector.broadcast %get3A_39 : vector<1x128xf32> to vector<1024x128xf32>
    %add3A_41 = arith.addf %dot_general3A_36, %add3A_40 : vector<1024x128xf32>
    %swap3A = arith.constant 0 : index
    %swap3A_42 = arith.constant 0 : index
    %swap3A_43 = vector.load %arg10[%swap3A, %swap3A_42] : memref<1024x128xf32, #tpu.memory_space<vmem>>, vector<1024x128xf32>
    tpu.vector_store %arg10[%swap3A, %swap3A_42], %add3A_41 {strides = array<i32>} : memref<1024x128xf32, #tpu.memory_space<vmem>>, vector<1024x128xf32>,
    return
  }
  func.func @transform_0(%arg0: i32) -> (i32, i32) {
    %c0_i32 = arith.constant 0 : i32
    %c0_i32_0 = arith.constant 0 : i32
    return %arg0, %c0_i32 : i32, i32
  }
  func.func @transform_1(%arg0: i32) -> (i32, i32) {
    %c0_i32 = arith.constant 0 : i32
    %c0_i32_0 = arith.constant 0 : i32
    return %arg0, %c0_i32 : i32, i32
  }
  func.func @transform_2(%arg0: i32) -> (i32, i32) {
    %c0_i32 = arith.constant 0 : i32
    %c0_i32_0 = arith.constant 0 : i32
    return %arg0, %c0_i32 : i32, i32
  }
  func.func @transform_3(%arg0: i32) -> (i32, i32) {
    %c0_i32 = arith.constant 0 : i32
    %c0_i32_0 = arith.constant 0 : i32
    return %c0_i32, %arg0 : i32, i32
  }
  func.func @transform_4(%arg0: i32) -> (i32, i32) {
    %c0_i32 = arith.constant 0 : i32
    %c0_i32_0 = arith.constant 0 : i32
    %c0_i32_1 = arith.constant 0 : i32
    return %c0_i32, %c0_i32_0 : i32, i32
  }
  func.func @transform_5(%arg0: i32) -> (i32, i32) {
    %c0_i32 = arith.constant 0 : i32
    %c0_i32_0 = arith.constant 0 : i32
    %c0_i32_1 = arith.constant 0 : i32
    return %c0_i32, %c0_i32_0 : i32, i32
  }
  func.func @transform_6(%arg0: i32) -> (i32, i32) {
    %c0_i32 = arith.constant 0 : i32
    %c0_i32_0 = arith.constant 0 : i32
    %c0_i32_1 = arith.constant 0 : i32
    return %c0_i32, %c0_i32_0 : i32, i32
  }
  func.func @transform_7(%arg0: i32) -> (i32, i32) {
    %c0_i32 = arith.constant 0 : i32
    %c0_i32_0 = arith.constant 0 : i32
    %c0_i32_1 = arith.constant 0 : i32
    return %c0_i32, %c0_i32_0 : i32, i32
  }
  func.func @transform_8(%arg0: i32) -> (i32, i32) {
    %c0_i32 = arith.constant 0 : i32
    %c0_i32_0 = arith.constant 0 : i32
    %c0_i32_1 = arith.constant 0 : i32
    return %c0_i32, %c0_i32_0 : i32, i32
  }
  func.func @transform_9(%arg0: i32) -> (i32, i32) {
    %c0_i32 = arith.constant 0 : i32
    %c0_i32_0 = arith.constant 0 : i32
    return %arg0, %c0_i32 : i32, i32
  }
}

</mosaic_0001>

<sc_bundles>
// kernel: sc_segsum.3.cloned.1.call-start
scs
__scs_entry_jumppad:
0x0: {  	(pc) =	sbr.rel $0x88, $3  }
0x1: {  	(tag) =	ssettag $0x0;
	lr =	simm.s32 $0x1  }
0x2: {  	[smem:$0x3F97] =	sst lr;
	_ =	strace $0xD0000000  }
0x3: {  	_ = 	snop  }
0x4: {  	_ = 	snop  }
0x5: {  	_ = 	snop  }
0x6: {  	_ = 	snop  }
0x7: {  	_ = 	snop  }
__scs_overlays_trampoline_lowered:
0x8: {  	[smem:$0x3FA6] =	sst s0  }
0x9: {  	[smem:$0x3FA7] =	sst s1  }
0xa: {  	[smem:$0x3FA8] =	sst s2  }
0xb: {  	[smem:$0x3FA9] =	sst s3  }
0xc: {  	[smem:$0x3FAA] =	sst s4  }
0xd: {  	[smem:$0x3FAB] =	sst s5  }
0xe: {  	[smem:$0x3FAC] =	sst s6  }
0xf: {  	[smem:$0x3FAD] =	sst s7  }
0x10: {  	[smem:$0x3FAE] =	sst s8  }
0x11: {  	[smem:$0x3FAF] =	sst s9;
	s0 =	simm.s32 @!p0 $0x0  }
0x12: {  	s1 =	sld [smem:$0x3F95];
	s0 =	simm.s32 @p0 $0x1  }
0x13: {  	[smem:$0x3FB0] =	sst s0;
	s0 =	simm.s32 @!p1 $0x0  }
0x14: {  	s2 =	sld [smem:$0x3F94];
	s0 =	simm.s32 @p1 $0x1  }
0x15: {  	[smem:$0x3FB1] =	sst s0;
	s0 =	simm.s32 @!p2 $0x0  }
0x16: {  	s3 =	sld [smem:$0x3FDB];
	s0 =	simm.s32 @p2 $0x1  }
0x17: {  	s4 =	simm.s32 $0x1BF5;
	[smem:$0x3FB3] =	sst s0  }
0x18: {  	s0 =	sld [smem:$0x3F96];
	_ =	swait.ge [sflag:s4], $0x0  }
0x19: {  	s7 =	sld [smem:$0x3F97]  }
0x1a: {  	s8 =	sadd.s32 $0xFFFFE003, lr  }
0x1b: {  	s9 =	sadd.s32 $0xFFFFFEF7, lr;
	s5 =	simm.s32 $0xFFFFFFFF;
	p2 =	slt.u32 s8, $0xFFFFF086  }
0x1c: {  	p1 =	slt.u32 s9, $0xF7A;
	s5 =	simm.s32 @!p2 $0x0  }
0x1d: {  	s5 =	simm.s32 @p1 $0x1;
	p0 =	seq.s32 s7, s2  }
0x1e: {  	s7 =	smul.u32 @!p0 $0xF7A, s2;
	p2 =	seq.s32 @!p0 s5, $0x0  }
0x1f: {  	s9 =	smul.u32 $0xF7A, s1;
	s8 =	simm.s32 @!p0 $0x1BF5;
	p2 =	por !p2, p0  }
0x20: {  	[sflag:s8] =	ssyncset.s32 @!p0 $0xFFFFF086;
	s6 =	sadd.s32 @!p0 s3, s7;
	s7 =	simm.s32 @!p0 $0x108  }
0x21: {  	s3 =	sadd.s32 s3, s9;
	s6 =	sadd.s32 @!p0 $0x88, s6;
	s7 =	simm.s32 @p2 $0x1082  }
0x22: {  	[simem:s7], [sflag:s8] =	dma.local @!p0 [hbm:s6], $0xF7A  }
0x23: {  	s9 =	sor.u32 $0xD0000000, s2;
	s6 =	simm.s32 $0x108;
	_ =	swait.ge @!p0 [sflag:s8], $0x0  }
0x24: {  	s3 =	sadd.s32 $0x88, s3;
	s6 =	simm.s32 @!p1 $0x1082;
	[sflag:s4] =	ssyncset.s32 $0xFFFFF086  }
0x25: {  	[simem:s6], [sflag:s4] =	dma.local [hbm:s3], $0xF7A  }
0x26: {  	[smem:$0x3F97] =	sst s1;
	(tag) =	ssettag s2;
	_ =	strace s9  }
0x27: {  	s1 =	sld [smem:$0x3FA7]  }
0x28: {  	s2 =	sld [smem:$0x3FA8]  }
0x29: {  	s4 =	sld [smem:$0x3FAA]  }
0x2a: {  	p0 =	seq.s32 s5, $0x0;
	s5 =	sld [smem:$0x3FAB]  }
0x2b: {  	s6 =	sld [smem:$0x3FAC]  }
0x2c: {  	s7 =	sld [smem:$0x3FAD]  }
0x2d: {  	s3 =	simm.s32 $0x108;
	s8 =	sld [smem:$0x3FAE]  }
0x2e: {  	s3 =	simm.s32 @!p0 $0x1082;
	s9 =	sld [smem:$0x3FAF]  }
0x2f: {  	lr =	sadd.s32 s0, s3;
	s0 =	sld [smem:$0x3FA6]  }
0x30: {  	s3 =	sld [smem:$0x3FA9]  }
0x31: {  	[smem:$0x3FB2] =	sst s10  }
0x32: {  	s10 =	sld [smem:$0x3FB0];
	_ =	sdelay $0x3  }
0x33: {  	p0 =	seq.s32 s10, $0x1;
	s10 =	sld [smem:$0x3FB2];
	_ =	sdelay $0x3  }
0x34: {  	[smem:$0x3FB2] =	sst s10  }
0x35: {  	s10 =	sld [smem:$0x3FB1];
	_ =	sdelay $0x3  }
0x36: {  	p1 =	seq.s32 s10, $0x1;
	s10 =	sld [smem:$0x3FB2];
	_ =	sdelay $0x3  }
0x37: {  	[smem:$0x3FB2] =	sst s10  }
0x38: {  	s10 =	sld [smem:$0x3FB3]  }
0x39: {  	_ = 	snop;
	(pc) =	sbr.ind lr, $3  }
0x3a: {  	_ = 	snop  }
0x3b: {  	_ = 	snop  }
0x3c: {  	p2 =	seq.s32 s10, $0x1;
	s10 =	sld [smem:$0x3FB2]  }
0x3d: {  	_ =	shalt  }
0x3e: {  	_ =	shalt  }
0x3f: {  	_ =	shalt  }
0x40: {  	_ =	shalt  }
0x41: {  	_ =	shalt  }
0x42: {  	_ =	shalt  }
0x43: {  	_ =	shalt  }
0x44: {  	_ =	shalt  }
0x45: {  	_ =	shalt  }
0x46: {  	_ =	shalt  }
0x47: {  	_ =	shalt  }
0x48: {  	_ =	shalt  }
0x49: {  	_ =	shalt  }
0x4a: {  	_ =	shalt  }
0x4b: {  	_ =	shalt  }
0x4c: {  	_ =	shalt  }
0x4d: {  	_ =	shalt  }
0x4e: {  	_ =	shalt  }
0x4f: {  	_ =	shalt  }
0x50: {  	_ =	shalt  }
0x51: {  	_ =	shalt  }
0x52: {  	_ =	shalt  }
0x53: {  	_ =	shalt  }
0x54: {  	_ =	shalt  }
0x55: {  	_ =	shalt  }
0x56: {  	_ =	shalt  }
0x57: {  	_ =	shalt  }
0x58: {  	_ =	shalt  }
0x59: {  	_ =	shalt  }
0x5a: {  	_ =	shalt  }
0x5b: {  	_ =	shalt  }
0x5c: {  	_ =	shalt  }
0x5d: {  	_ =	shalt  }
0x5e: {  	_ =	shalt  }
0x5f: {  	_ =	shalt  }
0x60: {  	_ =	shalt  }
0x61: {  	_ =	shalt  }
0x62: {  	_ =	shalt  }
0x63: {  	_ =	shalt  }
0x64: {  	_ =	shalt  }
0x65: {  	_ =	shalt  }
0x66: {  	_ =	shalt  }
0x67: {  	_ =	shalt  }
0x68: {  	_ =	shalt  }
0x69: {  	_ =	shalt  }
0x6a: {  	_ =	shalt  }
0x6b: {  	_ =	shalt  }
0x6c: {  	_ =	shalt  }
0x6d: {  	_ =	shalt  }
0x6e: {  	_ =	shalt  }
0x6f: {  	_ =	shalt  }
0x70: {  	_ =	shalt  }
0x71: {  	_ =	shalt  }
0x72: {  	_ =	shalt  }
0x73: {  	_ =	shalt  }
0x74: {  	_ =	shalt  }
0x75: {  	_ =	shalt  }
0x76: {  	_ =	shalt  }
0x77: {  	_ =	shalt  }
0x78: {  	_ =	shalt  }
0x79: {  	_ =	shalt  }
0x7a: {  	_ =	shalt  }
0x7b: {  	_ =	shalt  }
0x7c: {  	_ =	shalt  }
0x7d: {  	_ =	shalt  }
0x7e: {  	_ =	shalt  }
0x7f: {  	_ =	shalt  }
0x80: {  	_ =	shalt  }
0x81: {  	_ =	shalt  }
0x82: {  	_ =	shalt  }
0x83: {  	_ =	shalt  }
0x84: {  	_ =	shalt  }
0x85: {  	_ =	shalt  }
0x86: {  	_ =	shalt  }
0x87: {  	_ =	shalt  }
.Lfunc_end0:
.L_simem_size_0:
called_computation.1_lowered:
.L_overlay_start_0:
0x88: {  	s2 =	sld [smem:$0x3FD9]  }
0x89: {  	s3 =	sld [smem:$0x3FFE];
	_ =	sdelay $0x1  }
0x8a: {  	s1 =	srdreg.scid  }
0x8b: {  	s0 =	sand.u32 $0x1, s1  }
0x8c: {  	s17 =	sshll.u32 s0, $0xA;
	s2 =	sadd.s32 s3, s2  }
0x8d: {  	s2 =	sadd.s32 s2, s17  }
0x8e: {  	[smem:$0x3FBE] =	sst s2  }
0x8f: {  	_ = 	snop  }
0x90: {  	s2 =	sld [smem:$0x3FD0];
	(tm) =	ssettm $0x1  }
0x91: {  	s18 =	sld [smem:$0x3FFB];
	_ =	sdelay $0x3  }
0x92: {  	_ =	strace s18  }
0x93: {  	s3 =	sld [smem:$0x3FFC];
	_ =	sdelay $0x3  }
0x94: {  	_ =	strace s3  }
0x95: {  	s3 =	sld [smem:$0x3FFD];
	_ =	sdelay $0x3  }
0x96: {  	_ =	strace s3  }
0x97: {  	_ =	strace $0x8FFFFFFF  }
0x98: {  	s19 =	sld [smem:$0x3FDB];
	_ =	sdelay $0x1  }
0x99: {  	s4 =	simm.s32 $_scs_section_size  }
0x9a: {  	s5 =	simm.s32 $_size__tile_overlayer_lowered;
	s6 =	simm.s32 $_tile_overlayer_lowered  }
0x9b: {  	s22 =	simm.s32 $0x1BFF;
	s21 =	sshll.u32 s6, $0x1;
	s3 =	sadd.s32 s4, s19  }
0x9c: {  	s7 =	simm.s32 $0x0;
	s20 =	sshll.u32 s5, $0x1;
	s5 =	sadd.s32 s21, s3  }
0x9d: {  	[timem:s7], [sflag:s22] =	dma.local [hbm:s5], s20  }
0x9e: {  	_ =	swait.ge [sflag:s22], s20  }
0x9f: {  	s4 =	ssub.s32 $0x0, s20;
	[sflag:s22] =	ssyncset.done $0x0  }
0xa0: {  	[sflag:s22] =	ssyncadd.s32 s4;
	_ =	sdelay $0x1  }
0xa1: {  	s23 =	simm.s32 $0x1B8B  }
0xa2: {  	_ =	swait.ge [sflag:s23], $0x1  }
0xa3: {  	[sflag:s23] =	ssyncset.done $0x0  }
0xa4: {  	s25 =	simm.s32 $0x1B8E;
	s24 =	sld [smem:$0x3FFE];
	[sflag:s23] =	ssyncadd.s32 $0xFFFFFFFF  }
0xa5: {  	s26 =	simm.s32 $execute0_lowered;
	[smem:$0x3FD2] =	sst s25  }
0xa6: {  	s5 =	sshll.u32 s26, $0x1;
	_ =	strace $0x80000049;
	[dreg:$0x1] =	wrdreg $0xFFFFFFFF  }
0xa7: {  	s28 =	simm.s32 $_size_execute0_lowered;
	s3 =	sadd.s32 s3, s5;
	[dreg:$0x0] =	wrdreg $0x0  }
0xa8: {  	s5 =	sshll.u32 s28, $0x1;
	[dreg:$0x2] =	wrdreg s3  }
0xa9: {  	[dreg:$0x3] =	wrdreg s5  }
0xaa: {  	[dreg:$0x4] =	wrdreg $0xC0  }
0xab: {  	_ =	task [dreg:s7], $0x5FFFF  }
0xac: {  	[dreg:$0x1] =	wrdreg $0xFFFFFFFF  }
0xad: {  	[dreg:$0x0] =	wrdreg $0x60  }
0xae: {  	[dreg:$0x2] =	wrdreg s24  }
0xaf: {  	[dreg:$0x3] =	wrdreg s2  }
0xb0: {  	[dreg:$0x4] =	wrdreg $0x122000  }
0xb1: {  	[dreg:$0x5] =	wrdreg $0x9  }
0xb2: {  	_ =	task.clear_ibuf [dreg:s7], $0x6FFFF;
	_ =	strace $0x90000049  }
0xb3: {  	s29 =	simm.s32 $0x9;
	_ =	strace $0x8000004B  }
0xb4: {  	_ =	swait.ge [sflag:s29], $0x1  }
0xb5: {  	[sflag:s29] =	ssyncadd.s32 $0xFFFFFFFF  }
0xb6: {  	_ =	strace $0x9000004B  }
0xb7: {  	_ =	sfence  }
0xb8: {  	s30 =	sld [smem:$0x0];
	_ =	sdelay $0x2  }
0xb9: {  	s31 =	sshll.u32 s1, $0xD;
	s1 =	sshrl.u32 s1, $0x2  }
0xba: {  	s3 =	sand.u32 $0x4000, s31;
	s1 =	sadd.s32 s1, s30  }
0xbb: {  	s0 =	sor.u32 s3, s0;
	s1 =	sshll.u32 s1, $0x11  }
0xbc: {  	s0 =	sor.u32 s1, s0  }
0xbd: {  	s0 =	sadd.s32 $0x8F2B, s0  }
0xbe: {  	[sflag:s0] =	ssyncadd.remote.s32 $0x1  }
0xbf: {  	_ =	sfence.sel $0xFFFF  }
0xc0: {  	[dreg:$0x0] =	wrdreg $0xFFFFFFFF;
	(pc) =	sbr.abs _section_cstart, $3  }
0xc1: {  	[dreg:$0x1] =	wrdreg $0xFFFFFFFF  }
0xc2: {  	_ =	task.clear_ibuf [dreg:s7], $0x2FFFF;
	_ =	strace $0x9FFFFFFF  }
0xc3: {  	(tm) =	ssettm $0x7FFFFFFF  }
tec
execute0_lowered:
.L_overlay_start_1:
0x0: {  	(tag) =	ssettag $0x1  }
0x1: {  	s6 =	rddreg [dreg:$0x0]  }
0x2: {  	s7 =	rddreg [dreg:$0x1]  }
0x3: {  	s0 =	srdreg.scid;
	s2 =	rddreg [dreg:$0x2];
	s3 =	simm.s32 $0x0  }
0x4: {  	s16 =	simm.s32 $0xC000;
	s17 =	simm.s32 $0x100;
	s18 =	simm.s32 $0xE000  }
0x5: {  	s19 =	simm.s32 $0x180;
	s20 =	simm.s32 $0x10000;
	s21 =	simm.s32 $0x1  }
0x6: {  	s22 =	simm.s32 $0x2;
	s23 =	simm.s32 $0x9E00;
	s5 =	sand.u32 $0x1, s0  }
0x7: {  	s24 =	simm.s32 $0x9E80;
	s0 =	stileid.u32;
	s4 =	smul.u32 $0x50000, s5  }
0x8: {  	s26 =	simm.s32 $0x9F00;
	s28 =	simm.s32 $0x9F80;
	s8 =	smul.u32 $0x5000, s0  }
0x9: {  	s29 =	simm.s32 $0x0;
	[smem:$0x7FF] =	sst s3;
	s30 =	smul.u32 $0xA0000, s5  }
0xa: {  	s10 =	smul.u32 $0xA000, s0;
	_ =	strace $0x8000004A;
	s12 =	ssub.s32 $0x2, s5  }
0xb: {  	s13 =	smul.u32 $0x28000, s0;
	s5 =	sadd.s32 $0x2B400, s6;
	s14 =	sshrl.u32 s12, $0x1  }
0xc: {  	s4 =	sadd.s32 s8, s4;
	s8 =	sadd.s32 s10, s30;
	s12 =	ssub.s32 s12, s14  }
0xd: {  	s31 =	sshrl.u32 s13, $0x2;
	s25 =	sadd.s32 s10, s2;
	s13 =	simm.s32 $0x12000  }
0xe: {  	s14 =	simm.s32 $0x80;
	s9 =	sshrl.u32 s4, $0x3;
	s4 =	sadd.s32 $0x3400, s6  }
0xf: {  	s8 =	sshrl.u32 s8, $0x3;
	s10 =	smax.u32 s12, $0x1;
	s12 =	simm.s32 $0x5000  }
0x10: {  	s25 =	sshrl.u32 s25, $0x3;
	s11 =	sadd.s32 s9, s6;
	s15 =	sadd.s32 s8, s6  }
0x11: {  	s6 =	sadd.s32 s7, s9;
	s8 =	sadd.s32 s31, s2;
	s7 =	sadd.s32 $0x2BC00, s11  }
0x12: {  	s9 =	sadd.s32 $0x3FC00, s15;
	s11 =	simm.s32 $0x3;
	s15 =	simm.s32 $0xA000  }
.LBB2_1:
0x13: {  	[tilespmem:s3], [sflag:$0x3] =	stream.linear.gather [hbm4b:s6+s3], $0x5000, $0x38;
	[tilespmem:$0x1C200] =	vst v63  }
0x14: {  	_ =	swait.ge [sflag:s11], $0x5000  }
0x15: {  	[sflag:s11] =	ssyncset.done $0x0  }
0x16: {  	[sflag:s11] =	ssyncadd.s32 $0xFFFFB000  }
0x17: {  	[tilespmem:s12], [sflag:$0x3] =	stream.linear.gather [hbm4b:s7+s3], $0x5000, $0x38;
	[tilespmem:$0x1C200] =	vst v63  }
0x18: {  	_ =	swait.ge [sflag:s11], $0x5000  }
0x19: {  	[sflag:s11] =	ssyncset.done $0x0  }
0x1a: {  	[sflag:s11] =	ssyncadd.s32 $0xFFFFB000  }
0x1b: {  	[tilespmem:s13], [sflag:$0x3] =	stream.linear.gather [hbm4b:s5+s3], $0x200, $0x38;
	[tilespmem:$0x1C200] =	vst v63  }
0x1c: {  	_ =	swait.ge [sflag:s11], $0x200  }
0x1d: {  	[sflag:s11] =	ssyncset.done $0x0  }
0x1e: {  	s30 =	sadd.s32 $0x0, s8;
	[sflag:s11] =	ssyncadd.s32 $0xFFFFFE00  }
0x1f: {  	[spmem:s30] =	stream.linear.scatter [tilespmem:s13], [sflag:$0x3], $0x200, $0x38;
	[tilespmem:$0x1C200] =	vst v63  }
0x20: {  	s30 =	simm.s32 $0x800;
	_ =	swait.ge [sflag:s11], $0x200  }
.LBB2_2:
0x21: {  	s31 =	sshra.s32 s30, $0x2;
	[sflag:s11] =	ssyncset.done $0x0;
	p0 =	sne.s32 s30, $0x27800  }
.Ltmp0:
0x22: {  	s31 =	sadd.s32 s31, s8;
	[sflag:s11] =	ssyncadd.s32 $0xFFFFFE00;
	(pc) =	sbr.rel @p0 .LBB2_2-.Ltmp0, $3  }
0x23: {  	[spmem:s31] =	stream.linear.scatter [tilespmem:s13], [sflag:$0x3], $0x200, $0x38;
	[tilespmem:$0x1C200] =	vst v63  }
0x24: {  	s30 =	sadd.s32 $0x800, s30;
	_ =	sdelay $0x1  }
0x25: {  	_ =	swait.ge [sflag:s11], $0x200  }
0x26: {  	[sflag:s11] =	ssyncset.done $0x0  }
0x27: {  	[sflag:s11] =	ssyncadd.s32 $0xFFFFFE00  }
0x28: {  	s30 =	simm.s32 $0x0;
	[bflag:$0x0] =	sbarrier.arrive $0xFFFF  }
0x29: {  	[tilespmem:s15], [sflag:$0x1] =	stream.indirect.gather [hbm4b:s4+s14], $0x40, s30, s14, $0xb8;
	[tilespmem:$0x1C200] =	vst v63  }
0x2a: {  	_ = 	snop  }
0x2b: {  	[tilespmem:s16], [sflag:$0x1] =	stream.indirect.gather [hbm4b:s4+s14], $0x40, s14, s14, $0xb8;
	[tilespmem:$0x1C200] =	vst v63  }
0x2c: {  	_ = 	snop  }
0x2d: {  	[tilespmem:s18], [sflag:$0x1] =	stream.indirect.gather [hbm4b:s4+s14], $0x40, s17, s14, $0xb8;
	[tilespmem:$0x1C200] =	vst v63  }
0x2e: {  	_ = 	snop  }
0x2f: {  	[tilespmem:s20], [sflag:$0x1] =	stream.indirect.gather [hbm4b:s4+s14], $0x40, s19, s14, $0xb8;
	[tilespmem:$0x1C200] =	vst v63  }
0x30: {  	_ =	swait.ge [sflag:s21], $0x2000  }
0x31: {  	[sflag:s21] =	ssyncset.done $0x0  }
0x32: {  	s30 =	simm.s32 $0x5000;
	[sflag:s21] =	ssyncadd.s32 $0xFFFFE000  }
0x33: {  	[spmem:s2] =	stream.indirect.scatter.add.f32 [tilespmem:s15], [sflag:$0x2], $0x40, s30, s14, $0xb8;
	[tilespmem:$0x1C200] =	vst v63  }
0x34: {  	_ =	swait.ge [sflag:s22], $0x2000  }
0x35: {  	[sflag:s22] =	ssyncset.done $0x0  }
0x36: {  	s30 =	simm.s32 $0x200;
	[sflag:s22] =	ssyncadd.s32 $0xFFFFE000  }
0x37: {  	[tilespmem:s15], [sflag:$0x1] =	stream.indirect.gather [hbm4b:s4+s14], $0x40, s30, s14, $0xb8;
	[tilespmem:$0x1C200] =	vst v63  }
0x38: {  	_ =	swait.ge [sflag:s21], $0x2000  }
0x39: {  	[sflag:s21] =	ssyncset.done $0x0  }
0x3a: {  	s30 =	simm.s32 $0x5080;
	[sflag:s21] =	ssyncadd.s32 $0xFFFFE000  }
0x3b: {  	[spmem:s2] =	stream.indirect.scatter.add.f32 [tilespmem:s16], [sflag:$0x2], $0x40, s30, s14, $0xb8;
	[tilespmem:$0x1C200] =	vst v63  }
0x3c: {  	_ =	swait.ge [sflag:s22], $0x2000  }
0x3d: {  	[sflag:s22] =	ssyncset.done $0x0  }
0x3e: {  	s30 =	simm.s32 $0x280;
	[sflag:s22] =	ssyncadd.s32 $0xFFFFE000  }
0x3f: {  	[tilespmem:s16], [sflag:$0x1] =	stream.indirect.gather [hbm4b:s4+s14], $0x40, s30, s14, $0xb8;
	[tilespmem:$0x1C200] =	vst v63  }
0x40: {  	_ =	swait.ge [sflag:s21], $0x2000  }
0x41: {  	[sflag:s21] =	ssyncset.done $0x0  }
0x42: {  	s30 =	simm.s32 $0x5100;
	[sflag:s21] =	ssyncadd.s32 $0xFFFFE000  }
0x43: {  	[spmem:s2] =	stream.indirect.scatter.add.f32 [tilespmem:s18], [sflag:$0x2], $0x40, s30, s14, $0xb8;
	[tilespmem:$0x1C200] =	vst v63  }
0x44: {  	_ =	swait.ge [sflag:s22], $0x2000  }
0x45: {  	[sflag:s22] =	ssyncset.done $0x0  }
0x46: {  	s30 =	simm.s32 $0x300;
	[sflag:s22] =	ssyncadd.s32 $0xFFFFE000  }
0x47: {  	[tilespmem:s18], [sflag:$0x1] =	stream.indirect.gather [hbm4b:s4+s14], $0x40, s30, s14, $0xb8;
	[tilespmem:$0x1C200] =	vst v63  }
0x48: {  	_ =	swait.ge [sflag:s21], $0x2000  }
0x49: {  	[sflag:s21] =	ssyncset.done $0x0  }
0x4a: {  	s30 =	simm.s32 $0x5180;
	[sflag:s21] =	ssyncadd.s32 $0xFFFFE000  }
0x4b: {  	[spmem:s2] =	stream.indirect.scatter.add.f32 [tilespmem:s20], [sflag:$0x2], $0x40, s30, s14, $0xb8;
	[tilespmem:$0x1C200] =	vst v63  }
0x4c: {  	_ =	swait.ge [sflag:s22], $0x2000  }
0x4d: {  	[sflag:s22] =	ssyncset.done $0x0  }
0x4e: {  	s31 =	simm.s32 $0x380;
	s30 =	simm.s32 $0x800;
	[sflag:s22] =	ssyncadd.s32 $0xFFFFE000  }
.LBB2_4:
0x4f: {  	[tilespmem:s20], [sflag:$0x1] =	stream.indirect.gather [hbm4b:s4+s14], $0x40, s31, s14, $0xb8;
	[tilespmem:$0x1C200] =	vst v63  }
0x50: {  	s31 =	smov.u32 s30  }
0x51: {  	p0 =	sne.s32 s30, $0x13000;
	s30 =	sadd.s32 $0x800, s30;
	_ =	swait.ge [sflag:s21], $0x2000  }
0x52: {  	s31 =	sshra.s32 s31, $0x2;
	[sflag:s21] =	ssyncset.done $0x0  }
0x53: {  	s1 =	sadd.s32 $0x5000, s31;
	[sflag:s21] =	ssyncadd.s32 $0xFFFFE000  }
0x54: {  	[spmem:s2] =	stream.indirect.scatter.add.f32 [tilespmem:s15], [sflag:$0x2], $0x40, s1, s14, $0xb8;
	[tilespmem:$0x1C200] =	vst v63  }
0x55: {  	_ =	swait.ge [sflag:s22], $0x2000  }
0x56: {  	[sflag:s22] =	ssyncset.done $0x0  }
0x57: {  	s1 =	sadd.s32 $0x200, s31;
	[sflag:s22] =	ssyncadd.s32 $0xFFFFE000  }
0x58: {  	[tilespmem:s15], [sflag:$0x1] =	stream.indirect.gather [hbm4b:s4+s14], $0x40, s1, s14, $0xb8;
	[tilespmem:$0x1C200] =	vst v63  }
0x59: {  	_ =	swait.ge [sflag:s21], $0x2000  }
0x5a: {  	[sflag:s21] =	ssyncset.done $0x0  }
0x5b: {  	s1 =	sadd.s32 $0x5080, s31;
	[sflag:s21] =	ssyncadd.s32 $0xFFFFE000  }
0x5c: {  	[spmem:s2] =	stream.indirect.scatter.add.f32 [tilespmem:s16], [sflag:$0x2], $0x40, s1, s14, $0xb8;
	[tilespmem:$0x1C200] =	vst v63  }
0x5d: {  	_ =	swait.ge [sflag:s22], $0x2000  }
0x5e: {  	[sflag:s22] =	ssyncset.done $0x0  }
0x5f: {  	s1 =	sadd.s32 $0x280, s31;
	[sflag:s22] =	ssyncadd.s32 $0xFFFFE000  }
0x60: {  	[tilespmem:s16], [sflag:$0x1] =	stream.indirect.gather [hbm4b:s4+s14], $0x40, s1, s14, $0xb8;
	[tilespmem:$0x1C200] =	vst v63  }
0x61: {  	_ =	swait.ge [sflag:s21], $0x2000  }
0x62: {  	[sflag:s21] =	ssyncset.done $0x0  }
0x63: {  	s1 =	sadd.s32 $0x5100, s31;
	[sflag:s21] =	ssyncadd.s32 $0xFFFFE000  }
0x64: {  	[spmem:s2] =	stream.indirect.scatter.add.f32 [tilespmem:s18], [sflag:$0x2], $0x40, s1, s14, $0xb8;
	[tilespmem:$0x1C200] =	vst v63  }
0x65: {  	_ =	swait.ge [sflag:s22], $0x2000  }
0x66: {  	[sflag:s22] =	ssyncset.done $0x0  }
0x67: {  	s1 =	sadd.s32 $0x300, s31;
	[sflag:s22] =	ssyncadd.s32 $0xFFFFE000  }
0x68: {  	[tilespmem:s18], [sflag:$0x1] =	stream.indirect.gather [hbm4b:s4+s14], $0x40, s1, s14, $0xb8;
	[tilespmem:$0x1C200] =	vst v63  }
0x69: {  	_ =	swait.ge [sflag:s21], $0x2000  }
0x6a: {  	[sflag:s21] =	ssyncset.done $0x0  }
.Ltmp1:
0x6b: {  	s1 =	sadd.s32 $0x5180, s31;
	[sflag:s21] =	ssyncadd.s32 $0xFFFFE000;
	(pc) =	sbr.rel @p0 .LBB2_4-.Ltmp1, $4  }
0x6c: {  	[spmem:s2] =	stream.indirect.scatter.add.f32 [tilespmem:s20], [sflag:$0x2], $0x40, s1, s14, $0xb8;
	[tilespmem:$0x1C200] =	vst v63  }
0x6d: {  	_ =	swait.ge [sflag:s22], $0x2000  }
0x6e: {  	[sflag:s22] =	ssyncset.done $0x0  }
0x6f: {  	s31 =	sadd.s32 $0x380, s31;
	[sflag:s22] =	ssyncadd.s32 $0xFFFFE000  }
0x70: {  	[tilespmem:s20], [sflag:$0x1] =	stream.indirect.gather [hbm4b:s4+s14], $0x40, s31, s14, $0xb8;
	[tilespmem:$0x1C200] =	vst v63  }
0x71: {  	_ =	swait.ge [sflag:s21], $0x2000  }
0x72: {  	[sflag:s21] =	ssyncset.done $0x0  }
0x73: {  	[sflag:s21] =	ssyncadd.s32 $0xFFFFE000  }
0x74: {  	[spmem:s2] =	stream.indirect.scatter.add.f32 [tilespmem:s15], [sflag:$0x2], $0x40, s23, s14, $0xb8;
	[tilespmem:$0x1C200] =	vst v63  }
0x75: {  	_ =	swait.ge [sflag:s22], $0x2000  }
0x76: {  	[sflag:s22] =	ssyncset.done $0x0  }
0x77: {  	[sflag:s22] =	ssyncadd.s32 $0xFFFFE000  }
0x78: {  	_ =	swait.ge [sflag:s21], $0x2000  }
0x79: {  	[sflag:s21] =	ssyncset.done $0x0  }
0x7a: {  	[sflag:s21] =	ssyncadd.s32 $0xFFFFE000  }
0x7b: {  	[spmem:s2] =	stream.indirect.scatter.add.f32 [tilespmem:s16], [sflag:$0x2], $0x40, s24, s14, $0xb8;
	[tilespmem:$0x1C200] =	vst v63  }
0x7c: {  	_ =	swait.ge [sflag:s22], $0x2000  }
0x7d: {  	[sflag:s22] =	ssyncset.done $0x0  }
0x7e: {  	[sflag:s22] =	ssyncadd.s32 $0xFFFFE000  }
0x7f: {  	_ =	swait.ge [sflag:s21], $0x2000  }
0x80: {  	[sflag:s21] =	ssyncset.done $0x0  }
0x81: {  	[sflag:s21] =	ssyncadd.s32 $0xFFFFE000  }
0x82: {  	[spmem:s2] =	stream.indirect.scatter.add.f32 [tilespmem:s18], [sflag:$0x2], $0x40, s26, s14, $0xb8;
	[tilespmem:$0x1C200] =	vst v63  }
0x83: {  	_ =	swait.ge [sflag:s22], $0x2000  }
0x84: {  	[sflag:s22] =	ssyncset.done $0x0  }
0x85: {  	[sflag:s22] =	ssyncadd.s32 $0xFFFFE000  }
0x86: {  	_ =	swait.ge [sflag:s21], $0x2000  }
0x87: {  	[sflag:s21] =	ssyncset.done $0x0  }
0x88: {  	[sflag:s21] =	ssyncadd.s32 $0xFFFFE000  }
0x89: {  	[spmem:s2] =	stream.indirect.scatter.add.f32 [tilespmem:s20], [sflag:$0x2], $0x40, s28, s14, $0xb8;
	[tilespmem:$0x1C200] =	vst v63  }
0x8a: {  	_ =	swait.ge [sflag:s22], $0x2000  }
0x8b: {  	s29 =	sadd.s32 $0x1, s29;
	[sflag:s22] =	ssyncset.done $0x0  }
0x8c: {  	s1 =	sshll.u32 s0, $0x6;
	p0 =	sne.s32 s29, s10;
	[sflag:s22] =	ssyncadd.s32 $0xFFFFE000  }
.Ltmp2:
0x8d: {  	s1 =	sor.u32 $0x1C03, s1;
	[bflag:$0x0] =	sbarrier.arrive $0xFFFF;
	(pc) =	sbr.rel @p0 .LBB2_1-.Ltmp2, $4  }
0x8e: {  	[hbm:s9], [sflag:s1] =	dma.local [spmem:s25], $0x1400  }
0x8f: {  	_ =	swait.ge [sflag:s11], $0x1400  }
0x90: {  	[sflag:s11] =	ssyncset.done $0x0  }
0x91: {  	[sflag:s11] =	ssyncadd.s32 $0xFFFFEC00  }
0x92: {  	_ =	sfence.sel $0x180000  }
0x93: {  	[bflag:$0x0] =	sbarrier.arrive $0xFFFF  }
0x94: {  	_ =	strace $0x9000004A  }
0x95: {  	[bflag:$0x2] =	sbarrier.arrive $0xFFFF  }
0x96: {  	p0 =	sne.s32 s0, $0x0;
	s0 =	rddreg [dreg:$0x3]  }
0x97: {  	s0 =	sadd.s32 @!p0 $0x100000, s0  }
0x98: {  	[sflag:s0] =	ssyncadd.tile.s32 @!p0 $0x1;
	_ =	shalt  }
.Lfunc_end2:
_tile_overlayer_lowered:
.L_overlay_start_2:
0x99: {  	(tag) =	ssettag $0x2  }
0x9a: {  	s0 =	rddreg [dreg:$0x0];
	s2 =	stileid.u32  }
0x9b: {  	s1 =	rddreg [dreg:$0x1];
	p0 =	sne.s32 s2, $0x0  }
0x9c: {  	s3 =	rddreg [dreg:$0x2];
	[bflag:$0x3] =	sbarrier.arrive $0xFFFF;
	s2 =	simm.s32 @!p0 $0x1C03  }
0x9d: {  	[timem:s3], [sflag:s2] =	dma.local @!p0 [hbm:s0], s1  }
0x9e: {  	s0 =	simm.s32 @!p0 $0x3  }
0x9f: {  	_ =	swait.ge @!p0 [sflag:s0], s1  }
0xa0: {  	s1 =	ssub.s32 @!p0 $0x0, s1;
	[sflag:s0] =	ssyncset.done @!p0 $0x0  }
0xa1: {  	[sflag:s0] =	ssyncadd.s32 @!p0 s1  }
0xa2: {  	[bflag:$0x3] =	sbarrier.arrive $0xFFFF  }
0xa3: {  	_ =	shalt  }

// kernel: sc_segsum_deg.3.cloned.1.call-start
scs
__scs_entry_jumppad:
0x0: {  	(pc) =	sbr.rel $0x88, $3  }
0x1: {  	(tag) =	ssettag $0x0;
	lr =	simm.s32 $0x1  }
0x2: {  	[smem:$0x3F97] =	sst lr;
	_ =	strace $0xD0000000  }
0x3: {  	_ = 	snop  }
0x4: {  	_ = 	snop  }
0x5: {  	_ = 	snop  }
0x6: {  	_ = 	snop  }
0x7: {  	_ = 	snop  }
__scs_overlays_trampoline_lowered:
0x8: {  	[smem:$0x3FA6] =	sst s0  }
0x9: {  	[smem:$0x3FA7] =	sst s1  }
0xa: {  	[smem:$0x3FA8] =	sst s2  }
0xb: {  	[smem:$0x3FA9] =	sst s3  }
0xc: {  	[smem:$0x3FAA] =	sst s4  }
0xd: {  	[smem:$0x3FAB] =	sst s5  }
0xe: {  	[smem:$0x3FAC] =	sst s6  }
0xf: {  	[smem:$0x3FAD] =	sst s7  }
0x10: {  	[smem:$0x3FAE] =	sst s8  }
0x11: {  	[smem:$0x3FAF] =	sst s9;
	s0 =	simm.s32 @!p0 $0x0  }
0x12: {  	s1 =	sld [smem:$0x3F95];
	s0 =	simm.s32 @p0 $0x1  }
0x13: {  	[smem:$0x3FB0] =	sst s0;
	s0 =	simm.s32 @!p1 $0x0  }
0x14: {  	s2 =	sld [smem:$0x3F94];
	s0 =	simm.s32 @p1 $0x1  }
0x15: {  	[smem:$0x3FB1] =	sst s0;
	s0 =	simm.s32 @!p2 $0x0  }
0x16: {  	s3 =	sld [smem:$0x3FDB];
	s0 =	simm.s32 @p2 $0x1  }
0x17: {  	s4 =	simm.s32 $0x1BF5;
	[smem:$0x3FB3] =	sst s0  }
0x18: {  	s0 =	sld [smem:$0x3F96];
	_ =	swait.ge [sflag:s4], $0x0  }
0x19: {  	s7 =	sld [smem:$0x3F97]  }
0x1a: {  	s8 =	sadd.s32 $0xFFFFE003, lr  }
0x1b: {  	s9 =	sadd.s32 $0xFFFFFEF7, lr;
	s5 =	simm.s32 $0xFFFFFFFF;
	p2 =	slt.u32 s8, $0xFFFFF086  }
0x1c: {  	p1 =	slt.u32 s9, $0xF7A;
	s5 =	simm.s32 @!p2 $0x0  }
0x1d: {  	s5 =	simm.s32 @p1 $0x1;
	p0 =	seq.s32 s7, s2  }
0x1e: {  	s7 =	smul.u32 @!p0 $0xF7A, s2;
	p2 =	seq.s32 @!p0 s5, $0x0  }
0x1f: {  	s9 =	smul.u32 $0xF7A, s1;
	s8 =	simm.s32 @!p0 $0x1BF5;
	p2 =	por !p2, p0  }
0x20: {  	[sflag:s8] =	ssyncset.s32 @!p0 $0xFFFFF086;
	s6 =	sadd.s32 @!p0 s3, s7;
	s7 =	simm.s32 @!p0 $0x108  }
0x21: {  	s3 =	sadd.s32 s3, s9;
	s6 =	sadd.s32 @!p0 $0x88, s6;
	s7 =	simm.s32 @p2 $0x1082  }
0x22: {  	[simem:s7], [sflag:s8] =	dma.local @!p0 [hbm:s6], $0xF7A  }
0x23: {  	s9 =	sor.u32 $0xD0000000, s2;
	s6 =	simm.s32 $0x108;
	_ =	swait.ge @!p0 [sflag:s8], $0x0  }
0x24: {  	s3 =	sadd.s32 $0x88, s3;
	s6 =	simm.s32 @!p1 $0x1082;
	[sflag:s4] =	ssyncset.s32 $0xFFFFF086  }
0x25: {  	[simem:s6], [sflag:s4] =	dma.local [hbm:s3], $0xF7A  }
0x26: {  	[smem:$0x3F97] =	sst s1;
	(tag) =	ssettag s2;
	_ =	strace s9  }
0x27: {  	s1 =	sld [smem:$0x3FA7]  }
0x28: {  	s2 =	sld [smem:$0x3FA8]  }
0x29: {  	s4 =	sld [smem:$0x3FAA]  }
0x2a: {  	p0 =	seq.s32 s5, $0x0;
	s5 =	sld [smem:$0x3FAB]  }
0x2b: {  	s6 =	sld [smem:$0x3FAC]  }
0x2c: {  	s7 =	sld [smem:$0x3FAD]  }
0x2d: {  	s3 =	simm.s32 $0x108;
	s8 =	sld [smem:$0x3FAE]  }
0x2e: {  	s3 =	simm.s32 @!p0 $0x1082;
	s9 =	sld [smem:$0x3FAF]  }
0x2f: {  	lr =	sadd.s32 s0, s3;
	s0 =	sld [smem:$0x3FA6]  }
0x30: {  	s3 =	sld [smem:$0x3FA9]  }
0x31: {  	[smem:$0x3FB2] =	sst s10  }
0x32: {  	s10 =	sld [smem:$0x3FB0];
	_ =	sdelay $0x3  }
0x33: {  	p0 =	seq.s32 s10, $0x1;
	s10 =	sld [smem:$0x3FB2];
	_ =	sdelay $0x3  }
0x34: {  	[smem:$0x3FB2] =	sst s10  }
0x35: {  	s10 =	sld [smem:$0x3FB1];
	_ =	sdelay $0x3  }
0x36: {  	p1 =	seq.s32 s10, $0x1;
	s10 =	sld [smem:$0x3FB2];
	_ =	sdelay $0x3  }
0x37: {  	[smem:$0x3FB2] =	sst s10  }
0x38: {  	s10 =	sld [smem:$0x3FB3]  }
0x39: {  	_ = 	snop;
	(pc) =	sbr.ind lr, $3  }
0x3a: {  	_ = 	snop  }
0x3b: {  	_ = 	snop  }
0x3c: {  	p2 =	seq.s32 s10, $0x1;
	s10 =	sld [smem:$0x3FB2]  }
0x3d: {  	_ =	shalt  }
0x3e: {  	_ =	shalt  }
0x3f: {  	_ =	shalt  }
0x40: {  	_ =	shalt  }
0x41: {  	_ =	shalt  }
0x42: {  	_ =	shalt  }
0x43: {  	_ =	shalt  }
0x44: {  	_ =	shalt  }
0x45: {  	_ =	shalt  }
0x46: {  	_ =	shalt  }
0x47: {  	_ =	shalt  }
0x48: {  	_ =	shalt  }
0x49: {  	_ =	shalt  }
0x4a: {  	_ =	shalt  }
0x4b: {  	_ =	shalt  }
0x4c: {  	_ =	shalt  }
0x4d: {  	_ =	shalt  }
0x4e: {  	_ =	shalt  }
0x4f: {  	_ =	shalt  }
0x50: {  	_ =	shalt  }
0x51: {  	_ =	shalt  }
0x52: {  	_ =	shalt  }
0x53: {  	_ =	shalt  }
0x54: {  	_ =	shalt  }
0x55: {  	_ =	shalt  }
0x56: {  	_ =	shalt  }
0x57: {  	_ =	shalt  }
0x58: {  	_ =	shalt  }
0x59: {  	_ =	shalt  }
0x5a: {  	_ =	shalt  }
0x5b: {  	_ =	shalt  }
0x5c: {  	_ =	shalt  }
0x5d: {  	_ =	shalt  }
0x5e: {  	_ =	shalt  }
0x5f: {  	_ =	shalt  }
0x60: {  	_ =	shalt  }
0x61: {  	_ =	shalt  }
0x62: {  	_ =	shalt  }
0x63: {  	_ =	shalt  }
0x64: {  	_ =	shalt  }
0x65: {  	_ =	shalt  }
0x66: {  	_ =	shalt  }
0x67: {  	_ =	shalt  }
0x68: {  	_ =	shalt  }
0x69: {  	_ =	shalt  }
0x6a: {  	_ =	shalt  }
0x6b: {  	_ =	shalt  }
0x6c: {  	_ =	shalt  }
0x6d: {  	_ =	shalt  }
0x6e: {  	_ =	shalt  }
0x6f: {  	_ =	shalt  }
0x70: {  	_ =	shalt  }
0x71: {  	_ =	shalt  }
0x72: {  	_ =	shalt  }
0x73: {  	_ =	shalt  }
0x74: {  	_ =	shalt  }
0x75: {  	_ =	shalt  }
0x76: {  	_ =	shalt  }
0x77: {  	_ =	shalt  }
0x78: {  	_ =	shalt  }
0x79: {  	_ =	shalt  }
0x7a: {  	_ =	shalt  }
0x7b: {  	_ =	shalt  }
0x7c: {  	_ =	shalt  }
0x7d: {  	_ =	shalt  }
0x7e: {  	_ =	shalt  }
0x7f: {  	_ =	shalt  }
0x80: {  	_ =	shalt  }
0x81: {  	_ =	shalt  }
0x82: {  	_ =	shalt  }
0x83: {  	_ =	shalt  }
0x84: {  	_ =	shalt  }
0x85: {  	_ =	shalt  }
0x86: {  	_ =	shalt  }
0x87: {  	_ =	shalt  }
.Lfunc_end0:
.L_simem_size_0:
called_computation_lowered:
.L_overlay_start_0:
0x88: {  	s2 =	sld [smem:$0x3FD9]  }
0x89: {  	s3 =	sld [smem:$0x3FFE];
	_ =	sdelay $0x1  }
0x8a: {  	s1 =	srdreg.scid  }
0x8b: {  	s0 =	sand.u32 $0x1, s1  }
0x8c: {  	s17 =	sshll.u32 s0, $0xA;
	s2 =	sadd.s32 s3, s2  }
0x8d: {  	s2 =	sadd.s32 s2, s17  }
0x8e: {  	[smem:$0x3FBE] =	sst s2  }
0x8f: {  	_ = 	snop  }
0x90: {  	s2 =	sld [smem:$0x3FD0];
	(tm) =	ssettm $0x1  }
0x91: {  	s18 =	sld [smem:$0x3FFB];
	_ =	sdelay $0x3  }
0x92: {  	_ =	strace s18  }
0x93: {  	s3 =	sld [smem:$0x3FFC];
	_ =	sdelay $0x3  }
0x94: {  	_ =	strace s3  }
0x95: {  	s3 =	sld [smem:$0x3FFD];
	_ =	sdelay $0x3  }
0x96: {  	_ =	strace s3  }
0x97: {  	_ =	strace $0x8FFFFFFF  }
0x98: {  	s19 =	sld [smem:$0x3FDB];
	_ =	sdelay $0x1  }
0x99: {  	s4 =	simm.s32 $_scs_section_size  }
0x9a: {  	s5 =	simm.s32 $_size__tile_overlayer_lowered;
	s6 =	simm.s32 $_tile_overlayer_lowered  }
0x9b: {  	s22 =	simm.s32 $0x1BFF;
	s21 =	sshll.u32 s6, $0x1;
	s3 =	sadd.s32 s4, s19  }
0x9c: {  	s7 =	simm.s32 $0x0;
	s20 =	sshll.u32 s5, $0x1;
	s5 =	sadd.s32 s21, s3  }
0x9d: {  	[timem:s7], [sflag:s22] =	dma.local [hbm:s5], s20  }
0x9e: {  	_ =	swait.ge [sflag:s22], s20  }
0x9f: {  	s4 =	ssub.s32 $0x0, s20;
	[sflag:s22] =	ssyncset.done $0x0  }
0xa0: {  	[sflag:s22] =	ssyncadd.s32 s4;
	_ =	sdelay $0x1  }
0xa1: {  	s23 =	simm.s32 $0x1B8B  }
0xa2: {  	_ =	swait.ge [sflag:s23], $0x1  }
0xa3: {  	[sflag:s23] =	ssyncset.done $0x0  }
0xa4: {  	s25 =	simm.s32 $0x1B8E;
	s24 =	sld [smem:$0x3FFE];
	[sflag:s23] =	ssyncadd.s32 $0xFFFFFFFF  }
0xa5: {  	s26 =	simm.s32 $execute0_lowered;
	[smem:$0x3FD2] =	sst s25  }
0xa6: {  	s5 =	sshll.u32 s26, $0x1;
	_ =	strace $0x80000046;
	[dreg:$0x1] =	wrdreg $0xFFFFFFFF  }
0xa7: {  	s28 =	simm.s32 $_size_execute0_lowered;
	s3 =	sadd.s32 s3, s5;
	[dreg:$0x0] =	wrdreg $0x0  }
0xa8: {  	s5 =	sshll.u32 s28, $0x1;
	[dreg:$0x2] =	wrdreg s3  }
0xa9: {  	[dreg:$0x3] =	wrdreg s5  }
0xaa: {  	[dreg:$0x4] =	wrdreg $0xC0  }
0xab: {  	_ =	task [dreg:s7], $0x5FFFF  }
0xac: {  	[dreg:$0x1] =	wrdreg $0xFFFFFFFF  }
0xad: {  	[dreg:$0x0] =	wrdreg $0x60  }
0xae: {  	[dreg:$0x2] =	wrdreg s24  }
0xaf: {  	[dreg:$0x3] =	wrdreg s2  }
0xb0: {  	[dreg:$0x4] =	wrdreg $0x14A000  }
0xb1: {  	[dreg:$0x5] =	wrdreg $0x9  }
0xb2: {  	_ =	task.clear_ibuf [dreg:s7], $0x6FFFF;
	_ =	strace $0x90000046  }
0xb3: {  	s29 =	simm.s32 $0x9;
	_ =	strace $0x80000048  }
0xb4: {  	_ =	swait.ge [sflag:s29], $0x1  }
0xb5: {  	[sflag:s29] =	ssyncadd.s32 $0xFFFFFFFF  }
0xb6: {  	_ =	strace $0x90000048  }
0xb7: {  	_ =	sfence  }
0xb8: {  	s30 =	sld [smem:$0x0];
	_ =	sdelay $0x2  }
0xb9: {  	s31 =	sshll.u32 s1, $0xD;
	s1 =	sshrl.u32 s1, $0x2  }
0xba: {  	s3 =	sand.u32 $0x4000, s31;
	s1 =	sadd.s32 s1, s30  }
0xbb: {  	s0 =	sor.u32 s3, s0;
	s1 =	sshll.u32 s1, $0x11  }
0xbc: {  	s0 =	sor.u32 s1, s0  }
0xbd: {  	s0 =	sadd.s32 $0x8F2B, s0  }
0xbe: {  	[sflag:s0] =	ssyncadd.remote.s32 $0x1  }
0xbf: {  	_ =	sfence.sel $0xFFFF  }
0xc0: {  	[dreg:$0x0] =	wrdreg $0xFFFFFFFF;
	(pc) =	sbr.abs _section_cstart, $3  }
0xc1: {  	[dreg:$0x1] =	wrdreg $0xFFFFFFFF  }
0xc2: {  	_ =	task.clear_ibuf [dreg:s7], $0x2FFFF;
	_ =	strace $0x9FFFFFFF  }
0xc3: {  	(tm) =	ssettm $0x7FFFFFFF  }
tec
execute0_lowered:
.L_overlay_start_1:
0x0: {  	(tag) =	ssettag $0x1  }
0x1: {  	s0 =	rddreg [dreg:$0x0]  }
0x2: {  	s7 =	rddreg [dreg:$0x1];
	s1 =	srdreg.scid  }
0x3: {  	s2 =	rddreg [dreg:$0x2];
	s29 =	stileid.u32  }
0x4: {  	s3 =	simm.s32 $0x0;
	s17 =	simm.s32 $0x80;
	s18 =	simm.s32 $0xA000  }
0x5: {  	s19 =	simm.s32 $0xC000;
	s21 =	simm.s32 $0xE000;
	s5 =	smul.u32 $0x5000, s29  }
0x6: {  	s22 =	simm.s32 $0x180;
	s23 =	simm.s32 $0x10000;
	s12 =	smul.u32 $0xA000, s29  }
0x7: {  	s26 =	simm.s32 $0x2;
	s28 =	simm.s32 $0x0;
	s11 =	smul.u32 $0x500, s29  }
0x8: {  	s24 =	sand.u32 $0x1, s1;
	[smem:$0x7FF] =	sst s3;
	s15 =	smul.u32 $0x28000, s29  }
0x9: {  	s6 =	sadd.s32 $0x2B600, s0;
	s4 =	smul.u32 $0x50000, s24;
	_ =	strace $0x80000047  }
0xa: {  	s8 =	smul.u32 $0xA0000, s24;
	s13 =	ssub.s32 $0x2, s24;
	p0 =	sne.s32 s24, $0x0  }
0xb: {  	s24 =	simm.s32 $0x1;
	s14 =	sshrl.u32 s13, $0x1;
	s30 =	sshrl.u32 s15, $0x2  }
0xc: {  	s31 =	sadd.s32 s12, s2;
	s15 =	simm.s32 $0x14800;
	s5 =	sadd.s32 s5, s4  }
0xd: {  	s4 =	sadd.s32 $0x3400, s0;
	s8 =	sadd.s32 s12, s8;
	s13 =	ssub.s32 s13, s14  }
.Ltmp0:
0xe: {  	s25 =	sshrl.u32 s31, $0x3;
	s9 =	sshrl.u32 s5, $0x3;
	(pc) =	sbr.rel .LBB2_1-.Ltmp0, $4  }
0xf: {  	s5 =	sadd.s32 $0x2B400, s0;
	s8 =	sshrl.u32 s8, $0x3;
	s12 =	smax.u32 s13, $0x1  }
0x10: {  	s13 =	simm.s32 $0x3;
	s10 =	sadd.s32 s9, s0;
	s16 =	sadd.s32 s8, s0  }
0x11: {  	s0 =	sadd.s32 s11, s0;
	s7 =	sadd.s32 s7, s9;
	s9 =	sadd.s32 s30, s2  }
0x12: {  	s8 =	sadd.s32 $0x2BC00, s10;
	s10 =	sadd.s32 $0x3FC00, s0;
	s11 =	sadd.s32 $0x44C00, s16  }
.LBB2_6:
0x13: {  	[bflag:$0x0] =	sbarrier.arrive $0xFFFF;
	s0 =	simm.s32 @!p0 $0x0  }
0x14: {  	[hbm4b:s10+s0] =	stream.linear.scatter @!p0 [tilespmem:s31], [sflag:$0x3], $0x2800, $0x38;
	[tilespmem:$0x1EA00] =	vst v63  }
0x15: {  	s0 =	simm.s32 @!p0 $0x3  }
0x16: {  	s1 =	stileid.u32;
	s28 =	sadd.s32 $0x1, s28;
	_ =	swait.ge @!p0 [sflag:s0], $0x2800  }
0x17: {  	s1 =	sshll.u32 s1, $0x6;
	p1 =	sne.s32 s28, s12;
	[sflag:s0] =	ssyncset.done @!p0 $0x0  }
.Ltmp1:
0x18: {  	s31 =	sor.u32 $0x1C03, s1;
	[sflag:s0] =	ssyncadd.s32 @!p0 $0xFFFFD800;
	(pc) =	sbr.rel @!p1 .LBB2_7-.Ltmp1, $4  }
0x19: {  	[hbm:s11], [sflag:s31] =	dma.local [spmem:s25], $0x1400  }
0x1a: {  	_ =	swait.ge [sflag:s13], $0x1400  }
0x1b: {  	[sflag:s13] =	ssyncset.done $0x0  }
0x1c: {  	[sflag:s13] =	ssyncadd.s32 $0xFFFFEC00  }
.LBB2_1:
0x1d: {  	[tilespmem:s3], [sflag:$0x3] =	stream.linear.gather [hbm4b:s7+s3], $0x5000, $0x38;
	[tilespmem:$0x1EA00] =	vst v63  }
0x1e: {  	_ =	swait.ge [sflag:s13], $0x5000  }
0x1f: {  	[sflag:s13] =	ssyncset.done $0x0  }
0x20: {  	s0 =	simm.s32 $0x5000;
	[sflag:s13] =	ssyncadd.s32 $0xFFFFB000  }
0x21: {  	[tilespmem:s0], [sflag:$0x3] =	stream.linear.gather [hbm4b:s8+s3], $0x5000, $0x38;
	[tilespmem:$0x1EA00] =	vst v63  }
0x22: {  	_ =	swait.ge [sflag:s13], $0x5000  }
0x23: {  	[sflag:s13] =	ssyncset.done $0x0  }
0x24: {  	[sflag:s13] =	ssyncadd.s32 $0xFFFFB000  }
0x25: {  	[tilespmem:s15], [sflag:$0x3] =	stream.linear.gather [hbm4b:s5+s3], $0x200, $0x38;
	[tilespmem:$0x1EA00] =	vst v63  }
0x26: {  	_ =	swait.ge [sflag:s13], $0x200  }
0x27: {  	[sflag:s13] =	ssyncset.done $0x0  }
0x28: {  	s30 =	simm.s32 $0x12000;
	[sflag:s13] =	ssyncadd.s32 $0xFFFFFE00  }
0x29: {  	[tilespmem:s30], [sflag:$0x3] =	stream.linear.gather [hbm4b:s6+s3], $0x2800, $0x38;
	[tilespmem:$0x1EA00] =	vst v63  }
0x2a: {  	_ =	swait.ge [sflag:s13], $0x2800  }
0x2b: {  	[sflag:s13] =	ssyncset.done $0x0  }
0x2c: {  	s31 =	sadd.s32 $0x0, s9;
	[sflag:s13] =	ssyncadd.s32 $0xFFFFD800  }
0x2d: {  	[spmem:s31] =	stream.linear.scatter [tilespmem:s15], [sflag:$0x3], $0x200, $0x38;
	[tilespmem:$0x1EA00] =	vst v63  }
0x2e: {  	s0 =	simm.s32 $0x800;
	_ =	swait.ge [sflag:s13], $0x200  }
.LBB2_2:
0x2f: {  	s29 =	sshra.s32 s0, $0x2;
	[sflag:s13] =	ssyncset.done $0x0;
	p1 =	sne.s32 s0, $0x27800  }
.Ltmp2:
0x30: {  	s29 =	sadd.s32 s29, s9;
	[sflag:s13] =	ssyncadd.s32 $0xFFFFFE00;
	(pc) =	sbr.rel @p1 .LBB2_2-.Ltmp2, $3  }
0x31: {  	[spmem:s29] =	stream.linear.scatter [tilespmem:s15], [sflag:$0x3], $0x200, $0x38;
	[tilespmem:$0x1EA00] =	vst v63  }
0x32: {  	s0 =	sadd.s32 $0x800, s0;
	_ =	sdelay $0x1  }
0x33: {  	_ =	swait.ge [sflag:s13], $0x200  }
0x34: {  	[sflag:s13] =	ssyncset.done $0x0  }
0x35: {  	[sflag:s13] =	ssyncadd.s32 $0xFFFFFE00  }
0x36: {  	s29 =	simm.s32 $0x0;
	[bflag:$0x0] =	sbarrier.arrive $0xFFFF  }
0x37: {  	[tilespmem:s18], [sflag:$0x1] =	stream.indirect.gather [hbm4b:s4+s17], $0x40, s29, s17, $0xb8;
	[tilespmem:$0x1EA00] =	vst v63  }
0x38: {  	_ = 	snop  }
0x39: {  	[tilespmem:s19], [sflag:$0x1] =	stream.indirect.gather [hbm4b:s4+s17], $0x40, s17, s17, $0xb8;
	[tilespmem:$0x1EA00] =	vst v63  }
0x3a: {  	s0 =	simm.s32 $0x100  }
0x3b: {  	[tilespmem:s21], [sflag:$0x1] =	stream.indirect.gather [hbm4b:s4+s17], $0x40, s0, s17, $0xb8;
	[tilespmem:$0x1EA00] =	vst v63  }
0x3c: {  	_ = 	snop  }
0x3d: {  	[tilespmem:s23], [sflag:$0x1] =	stream.indirect.gather [hbm4b:s4+s17], $0x40, s22, s17, $0xb8;
	[tilespmem:$0x1EA00] =	vst v63  }
.LBB2_4:
0x3e: {  	_ =	swait.ge [sflag:s24], $0x2000  }
0x3f: {  	s30 =	sshra.s32 s29, $0x2;
	[sflag:s24] =	ssyncset.done $0x0  }
0x40: {  	s0 =	sadd.s32 $0x5000, s30;
	[sflag:s24] =	ssyncadd.s32 $0xFFFFE000  }
0x41: {  	[spmem:s2] =	stream.indirect.scatter.add.f32 [tilespmem:s18], [sflag:$0x2], $0x40, s0, s17, $0xb8;
	[tilespmem:$0x1EA00] =	vst v63  }
0x42: {  	s0 =	sshra.s32 @!p0 s29, $0x2  }
0x43: {  	v0 =	vld @!p0 [tilespmem:s0+$0x5000];
	_ =	sdelay $0x6  }
0x44: {  	v1 =	vimm.f32 @!p0 $1.000000000e+00;
	s31 =	simm.s32 @!p0 $0x12000  }
0x45: {  	[tilespmem:v0+s31+$0x0] =	vst.idx.add.f32.msk @!p0 $0xffff, v1  }
0x46: {  	v0 =	vld @!p0 [tilespmem:s0+$0x5010];
	_ =	sdelay $0x7  }
0x47: {  	[tilespmem:v0+s31+$0x0] =	vst.idx.add.f32.msk @!p0 $0xffff, v1  }
0x48: {  	v0 =	vld @!p0 [tilespmem:s0+$0x5020];
	_ =	sdelay $0x7  }
0x49: {  	[tilespmem:v0+s31+$0x0] =	vst.idx.add.f32.msk @!p0 $0xffff, v1  }
0x4a: {  	v0 =	vld @!p0 [tilespmem:s0+$0x5030];
	_ =	sdelay $0x7  }
0x4b: {  	[tilespmem:v0+s31+$0x0] =	vst.idx.add.f32.msk @!p0 $0xffff, v1  }
0x4c: {  	v0 =	vld @!p0 [tilespmem:s0+$0x5040];
	_ =	sdelay $0x7  }
0x4d: {  	[tilespmem:v0+s31+$0x0] =	vst.idx.add.f32.msk @!p0 $0xffff, v1  }
0x4e: {  	v0 =	vld @!p0 [tilespmem:s0+$0x5050];
	_ =	sdelay $0x7  }
0x4f: {  	[tilespmem:v0+s31+$0x0] =	vst.idx.add.f32.msk @!p0 $0xffff, v1  }
0x50: {  	v0 =	vld @!p0 [tilespmem:s0+$0x5060];
	_ =	sdelay $0x7  }
0x51: {  	[tilespmem:v0+s31+$0x0] =	vst.idx.add.f32.msk @!p0 $0xffff, v1  }
0x52: {  	v0 =	vld @!p0 [tilespmem:s0+$0x5070];
	_ =	sdelay $0x7  }
0x53: {  	[tilespmem:v0+s31+$0x0] =	vst.idx.add.f32.msk @!p0 $0xffff, v1  }
0x54: {  	p1 =	seq.s32 s29, $0x13800;
	_ =	swait.ge [sflag:s26], $0x2000  }
0x55: {  	s1 =	sshra.s32 @!p1 s29, $0x2;
	s16 =	simm.s32 @!p1 $0x80;
	[sflag:s26] =	ssyncset.done $0x0  }
0x56: {  	s20 =	simm.s32 @!p1 $0xA000;
	s14 =	sadd.s32 @!p1 $0x200, s1;
	[sflag:s26] =	ssyncadd.s32 $0xFFFFE000  }
0x57: {  	[tilespmem:s20], [sflag:$0x1] =	stream.indirect.gather @!p1 [hbm4b:s4+s16], $0x40, s14, s16, $0xb8;
	[tilespmem:$0x1EA00] =	vst v63  }
0x58: {  	_ =	swait.ge [sflag:s24], $0x2000  }
0x59: {  	[sflag:s24] =	ssyncset.done $0x0  }
0x5a: {  	s20 =	sadd.s32 $0x5080, s30;
	[sflag:s24] =	ssyncadd.s32 $0xFFFFE000  }
0x5b: {  	[spmem:s2] =	stream.indirect.scatter.add.f32 [tilespmem:s19], [sflag:$0x2], $0x40, s20, s17, $0xb8;
	[tilespmem:$0x1EA00] =	vst v63  }
0x5c: {  	v0 =	vld @!p0 [tilespmem:s30+$0x5080];
	_ =	sdelay $0x7  }
0x5d: {  	[tilespmem:v0+s31+$0x0] =	vst.idx.add.f32.msk @!p0 $0xffff, v1  }
0x5e: {  	v0 =	vld @!p0 [tilespmem:s0+$0x5090];
	_ =	sdelay $0x7  }
0x5f: {  	[tilespmem:v0+s31+$0x0] =	vst.idx.add.f32.msk @!p0 $0xffff, v1  }
0x60: {  	v0 =	vld @!p0 [tilespmem:s0+$0x50A0];
	_ =	sdelay $0x7  }
0x61: {  	[tilespmem:v0+s31+$0x0] =	vst.idx.add.f32.msk @!p0 $0xffff, v1  }
0x62: {  	v0 =	vld @!p0 [tilespmem:s0+$0x50B0];
	_ =	sdelay $0x7  }
0x63: {  	[tilespmem:v0+s31+$0x0] =	vst.idx.add.f32.msk @!p0 $0xffff, v1  }
0x64: {  	v0 =	vld @!p0 [tilespmem:s0+$0x50C0];
	_ =	sdelay $0x7  }
0x65: {  	[tilespmem:v0+s31+$0x0] =	vst.idx.add.f32.msk @!p0 $0xffff, v1  }
0x66: {  	v0 =	vld @!p0 [tilespmem:s0+$0x50D0];
	_ =	sdelay $0x7  }
0x67: {  	[tilespmem:v0+s31+$0x0] =	vst.idx.add.f32.msk @!p0 $0xffff, v1  }
0x68: {  	v0 =	vld @!p0 [tilespmem:s0+$0x50E0];
	_ =	sdelay $0x7  }
0x69: {  	[tilespmem:v0+s31+$0x0] =	vst.idx.add.f32.msk @!p0 $0xffff, v1  }
0x6a: {  	v0 =	vld @!p0 [tilespmem:s0+$0x50F0];
	_ =	sdelay $0x7  }
0x6b: {  	[tilespmem:v0+s31+$0x0] =	vst.idx.add.f32.msk @!p0 $0xffff, v1  }
0x6c: {  	_ =	swait.ge [sflag:s26], $0x2000  }
0x6d: {  	[sflag:s26] =	ssyncset.done $0x0  }
0x6e: {  	s14 =	sadd.s32 @!p1 $0x280, s1;
	s20 =	simm.s32 @!p1 $0xC000;
	[sflag:s26] =	ssyncadd.s32 $0xFFFFE000  }
0x6f: {  	[tilespmem:s20], [sflag:$0x1] =	stream.indirect.gather @!p1 [hbm4b:s4+s16], $0x40, s14, s16, $0xb8;
	[tilespmem:$0x1EA00] =	vst v63  }
0x70: {  	_ =	swait.ge [sflag:s24], $0x2000  }
0x71: {  	[sflag:s24] =	ssyncset.done $0x0  }
0x72: {  	s20 =	sadd.s32 $0x5100, s30;
	[sflag:s24] =	ssyncadd.s32 $0xFFFFE000  }
0x73: {  	[spmem:s2] =	stream.indirect.scatter.add.f32 [tilespmem:s21], [sflag:$0x2], $0x40, s20, s17, $0xb8;
	[tilespmem:$0x1EA00] =	vst v63  }
0x74: {  	v0 =	vld @!p0 [tilespmem:s30+$0x5100];
	_ =	sdelay $0x7  }
0x75: {  	[tilespmem:v0+s31+$0x0] =	vst.idx.add.f32.msk @!p0 $0xffff, v1  }
0x76: {  	v0 =	vld @!p0 [tilespmem:s0+$0x5110];
	_ =	sdelay $0x7  }
0x77: {  	[tilespmem:v0+s31+$0x0] =	vst.idx.add.f32.msk @!p0 $0xffff, v1  }
0x78: {  	v0 =	vld @!p0 [tilespmem:s0+$0x5120];
	_ =	sdelay $0x7  }
0x79: {  	[tilespmem:v0+s31+$0x0] =	vst.idx.add.f32.msk @!p0 $0xffff, v1  }
0x7a: {  	v0 =	vld @!p0 [tilespmem:s0+$0x5130];
	_ =	sdelay $0x7  }
0x7b: {  	[tilespmem:v0+s31+$0x0] =	vst.idx.add.f32.msk @!p0 $0xffff, v1  }
0x7c: {  	v0 =	vld @!p0 [tilespmem:s0+$0x5140];
	_ =	sdelay $0x7  }
0x7d: {  	[tilespmem:v0+s31+$0x0] =	vst.idx.add.f32.msk @!p0 $0xffff, v1  }
0x7e: {  	v0 =	vld @!p0 [tilespmem:s0+$0x5150];
	_ =	sdelay $0x7  }
0x7f: {  	[tilespmem:v0+s31+$0x0] =	vst.idx.add.f32.msk @!p0 $0xffff, v1  }
0x80: {  	v0 =	vld @!p0 [tilespmem:s0+$0x5160];
	_ =	sdelay $0x7  }
0x81: {  	[tilespmem:v0+s31+$0x0] =	vst.idx.add.f32.msk @!p0 $0xffff, v1  }
0x82: {  	v0 =	vld @!p0 [tilespmem:s0+$0x5170];
	_ =	sdelay $0x7  }
0x83: {  	[tilespmem:v0+s31+$0x0] =	vst.idx.add.f32.msk @!p0 $0xffff, v1  }
0x84: {  	_ =	swait.ge [sflag:s26], $0x2000  }
0x85: {  	[sflag:s26] =	ssyncset.done $0x0  }
0x86: {  	s1 =	sadd.s32 @!p1 $0x300, s1;
	s14 =	simm.s32 @!p1 $0xE000;
	[sflag:s26] =	ssyncadd.s32 $0xFFFFE000  }
0x87: {  	[tilespmem:s14], [sflag:$0x1] =	stream.indirect.gather @!p1 [hbm4b:s4+s16], $0x40, s1, s16, $0xb8;
	[tilespmem:$0x1EA00] =	vst v63  }
0x88: {  	_ =	swait.ge [sflag:s24], $0x2000  }
0x89: {  	[sflag:s24] =	ssyncset.done $0x0  }
0x8a: {  	s20 =	sadd.s32 $0x5180, s30;
	[sflag:s24] =	ssyncadd.s32 $0xFFFFE000  }
0x8b: {  	[spmem:s2] =	stream.indirect.scatter.add.f32 [tilespmem:s23], [sflag:$0x2], $0x40, s20, s17, $0xb8;
	[tilespmem:$0x1EA00] =	vst v63  }
0x8c: {  	v0 =	vld @!p0 [tilespmem:s30+$0x5180];
	_ =	sdelay $0x7  }
0x8d: {  	[tilespmem:v0+s31+$0x0] =	vst.idx.add.f32.msk @!p0 $0xffff, v1  }
0x8e: {  	v0 =	vld @!p0 [tilespmem:s0+$0x5190];
	_ =	sdelay $0x7  }
0x8f: {  	[tilespmem:v0+s31+$0x0] =	vst.idx.add.f32.msk @!p0 $0xffff, v1  }
0x90: {  	v0 =	vld @!p0 [tilespmem:s0+$0x51A0];
	_ =	sdelay $0x7  }
0x91: {  	[tilespmem:v0+s31+$0x0] =	vst.idx.add.f32.msk @!p0 $0xffff, v1  }
0x92: {  	v0 =	vld @!p0 [tilespmem:s0+$0x51B0];
	_ =	sdelay $0x7  }
0x93: {  	[tilespmem:v0+s31+$0x0] =	vst.idx.add.f32.msk @!p0 $0xffff, v1  }
0x94: {  	v0 =	vld @!p0 [tilespmem:s0+$0x51C0];
	_ =	sdelay $0x7  }
0x95: {  	[tilespmem:v0+s31+$0x0] =	vst.idx.add.f32.msk @!p0 $0xffff, v1  }
0x96: {  	v0 =	vld @!p0 [tilespmem:s0+$0x51D0];
	_ =	sdelay $0x7  }
0x97: {  	[tilespmem:v0+s31+$0x0] =	vst.idx.add.f32.msk @!p0 $0xffff, v1  }
0x98: {  	v0 =	vld @!p0 [tilespmem:s0+$0x51E0];
	_ =	sdelay $0x7  }
0x99: {  	[tilespmem:v0+s31+$0x0] =	vst.idx.add.f32.msk @!p0 $0xffff, v1  }
0x9a: {  	v0 =	vld @!p0 [tilespmem:s0+$0x51F0];
	_ =	sdelay $0x6  }
.Ltmp3:
0x9b: {  	_ = 	snop;
	(pc) =	sbr.rel @p1 .LBB2_6-.Ltmp3, $4  }
0x9c: {  	[tilespmem:v0+s31+$0x0] =	vst.idx.add.f32.msk @!p0 $0xffff, v1  }
0x9d: {  	_ =	swait.ge [sflag:s26], $0x2000  }
0x9e: {  	[sflag:s26] =	ssyncset.done $0x0  }
0x9f: {  	[sflag:s26] =	ssyncadd.s32 $0xFFFFE000  }
.Ltmp4:
0xa0: {  	(pc) =	sbr.rel .LBB2_4-.Ltmp4, $3  }
0xa1: {  	_ =	sdelay $0x1  }
0xa2: {  	s0 =	sadd.s32 $0x380, s30;
	s29 =	sadd.s32 $0x800, s29  }
0xa3: {  	[tilespmem:s23], [sflag:$0x1] =	stream.indirect.gather [hbm4b:s4+s17], $0x40, s0, s17, $0xb8;
	[tilespmem:$0x1EA00] =	vst v63  }
.LBB2_7:
0xa4: {  	_ =	sfence.sel $0x180000  }
0xa5: {  	[bflag:$0x0] =	sbarrier.arrive $0xFFFF  }
0xa6: {  	_ =	strace $0x90000047  }
0xa7: {  	s0 =	stileid.u32;
	[bflag:$0x2] =	sbarrier.arrive $0xFFFF  }
0xa8: {  	p0 =	sne.s32 s0, $0x0;
	s0 =	rddreg [dreg:$0x3]  }
0xa9: {  	s0 =	sadd.s32 @!p0 $0x100000, s0  }
0xaa: {  	[sflag:s0] =	ssyncadd.tile.s32 @!p0 $0x1;
	_ =	shalt  }
.Lfunc_end2:
_tile_overlayer_lowered:
.L_overlay_start_2:
0xab: {  	(tag) =	ssettag $0x2  }
0xac: {  	s0 =	rddreg [dreg:$0x0];
	s2 =	stileid.u32  }
0xad: {  	s1 =	rddreg [dreg:$0x1];
	p0 =	sne.s32 s2, $0x0  }
0xae: {  	s3 =	rddreg [dreg:$0x2];
	[bflag:$0x3] =	sbarrier.arrive $0xFFFF;
	s2 =	simm.s32 @!p0 $0x1C03  }
0xaf: {  	[timem:s3], [sflag:s2] =	dma.local @!p0 [hbm:s0], s1  }
0xb0: {  	s0 =	simm.s32 @!p0 $0x3  }
0xb1: {  	_ =	swait.ge @!p0 [sflag:s0], s1  }
0xb2: {  	s1 =	ssub.s32 @!p0 $0x0, s1;
	[sflag:s0] =	ssyncset.done @!p0 $0x0  }
0xb3: {  	[sflag:s0] =	ssyncadd.s32 @!p0 s1  }
0xb4: {  	[bflag:$0x3] =	sbarrier.arrive $0xFFFF  }
0xb5: {  	_ =	shalt  }

</sc_bundles>
